<compile_context>
chip_gen: v7x
topology: tpu7x:2x2x1
jax: 0.10.2.dev20260603
libtpu: 0.0.44.dev20260713+nightly
codegen_flags: <defaults>
</compile_context>

<pallas_src>
import functools

import jax
import jax.numpy as jnp
from jax import lax
from jax.experimental import pallas as pl
from jax.experimental.pallas import tpu as pltpu
from jax.experimental.pallas import tpu_sc as plsc

B, H, W, C = 4, 512, 512, 3
NC, NS, L = 2, 16, 16
NW = NC * NS
RW = H // (NW // B)
RT = 16
NT = RW // RT
GP = RT * W // L
GR = W // L


def _body(texc_hbm, mski_hbm, cond_hbm, out_hbm,
          zbuf, mbuf, obuf, cond_v, zsem, msem, osem):
    cid = lax.axis_index("c")
    sid = lax.axis_index("s")
    wid = sid * NC + cid
    img = wid // (NW // B)
    r0 = (wid % (NW // B)) * RW

    pltpu.sync_copy(cond_hbm, cond_v)
    sig = []
    for k in range(2 * C):
        idx = jnp.full((L,), img * (2 * C) + k, jnp.int32)
        v = plsc.load_gather(cond_v, [idx])
        sig.append(1.0 / (1.0 + jnp.exp(-v)))
    zero = jnp.zeros((L,), jnp.float32)

    def start_in(t):
        s = t % 2
        rt = r0 + t * RT
        hz = pltpu.make_async_copy(
            texc_hbm.at[img, 2, pl.ds(rt, RT)], zbuf.at[s], zsem.at[s])
        hm = pltpu.make_async_copy(
            mski_hbm.at[img, pl.ds(rt, RT)], mbuf.at[s], msem.at[s])
        hz.start()
        hm.start()
        return hz, hm

    def start_out(t):
        s = t % 2
        rt = r0 + t * RT
        ho = pltpu.make_async_copy(
            obuf.at[s], out_hbm.at[img, :, pl.ds(rt, RT)], osem.at[s])
        ho.start()
        return ho

    hin = [None] * NT
    hout = [None] * NT
    hin[0] = start_in(0)
    for t in range(NT):
        if t + 1 < NT:
            hin[t + 1] = start_in(t + 1)
        hin[t][0].wait()
        hin[t][1].wait()
        if t >= 2:
            hout[t - 2].wait()
        s = t % 2

        def inner(g, s=s):
            r = g // GR
            c0 = (g % GR) * L
            z = zbuf[s, r, pl.ds(c0, L)]
            mk = mbuf[s, r, pl.ds(c0, L)]
            m = z > -1.0
            act = mk == 1
            for ch in range(C):
                val = jnp.where(m, sig[ch], sig[C + ch])
                val = jnp.where(act, val, zero)
                obuf[s, ch, r, pl.ds(c0, L)] = val

        plsc.parallel_loop(0, GP, 1, unroll=8)(inner)
        hout[t] = start_out(t)
    hout[NT - 2].wait()
    hout[NT - 1].wait()


@jax.jit
def _run(texc_p, mski, cond_pad):
    mesh = plsc.VectorSubcoreMesh(core_axis_name="c", subcore_axis_name="s")
    return pl.kernel(
        _body,
        out_type=jax.ShapeDtypeStruct((B, C, H, W), jnp.float32),
        mesh=mesh,
        scratch_types=[
            pltpu.VMEM((2, RT, W), jnp.float32),
            pltpu.VMEM((2, RT, W), jnp.int32),
            pltpu.VMEM((2, C, RT, W), jnp.float32),
            pltpu.VMEM((32,), jnp.float32),
            pltpu.SemaphoreType.DMA((2,)),
            pltpu.SemaphoreType.DMA((2,)),
            pltpu.SemaphoreType.DMA((2,)),
        ],
        compiler_params=pltpu.CompilerParams(
            needs_layout_passes=False, use_tc_tiling_on_sc=True),
    )(texc_p, mski, cond_pad)


def kernel(texc, view_dir, cond, msk):
    del view_dir
    texc_p = jnp.transpose(texc, (0, 3, 1, 2))
    mski = msk.astype(jnp.int32)
    cond_pad = jnp.concatenate(
        [cond.reshape(-1), jnp.zeros((8,), jnp.float32)])
    out_p = _run(texc_p, mski, cond_pad)
    return jnp.transpose(out_p, (0, 2, 3, 1))

# --- scband reference (transcript-rebuilt; emitter-appended) ---
"""Pipeline reference for scband-feat-map-radiance-31585189494882 (READ-ONLY COPY).

The authoritative reference and input builder live on the scoring server;
editing this copy changes nothing except your own understanding.
"""

import jax, jax.numpy as jnp
import numpy as np

AABB = jnp.array([[-1.0, -1.0, -1.0], [1.0, 1.0, 1.0]], dtype=jnp.float32)
MIN_MAX = jnp.array([[0.0, 0.0, 0.0], [1.0, 1.0, 1.0]], dtype=jnp.float32)
CHANNELS = 3
COND_DIM = 6


def setup_inputs(seed: int = 0) -> dict:
    key = jax.random.key(seed)
    k1, k2, k3, k4 = jax.random.split(key, 4)
    texc = jax.random.normal(k1, (4, 512, 512, 3), dtype=jnp.float32)
    view_dir = jax.random.normal(k2, (4, 512, 512, 3), dtype=jnp.float32)
    cond = jax.random.normal(k3, (4, COND_DIM), dtype=jnp.float32)
    msk = jax.random.randint(k4, (4, 512, 512), 0, 2) > 0
    return {"texc": texc, "view_dir": view_dir, "cond": cond, "msk": msk}


def _get_output(texc, view_dir, cond):
    # msk = texc[..., [-1]] > 0
    m = texc[..., -1:] > 0
    # out = msk * cond[..., :C] + ~msk * cond[..., C:2C]  (exclusive bool mix -> where)
    out = jnp.where(m, cond[..., :CHANNELS], cond[..., CHANNELS:2 * CHANNELS])
    out = jax.nn.sigmoid(out) * (MIN_MAX[1][None, :] - MIN_MAX[0][None, :]) + MIN_MAX[0][None, :]
    return out


def reference(texc, view_dir, cond, msk):
    B, H, W, _ = texc.shape
    # cond[:, None, None].expand(-1, H, W, -1).reshape(-1, cond_dim)
    _cond = jnp.broadcast_to(cond[:, None, None, :], (B, H, W, COND_DIM)).reshape(-1, COND_DIM)
    _texc = (texc.reshape(-1, 3) - AABB[0][None, :]) / (AABB[1][None, :] - AABB[0][None, :])
    _texc = jnp.clip(_texc, 0.0, 1.0)
    _view = view_dir.reshape(-1, 3)
    _msk = msk.reshape(-1)
    # torch: out = zeros(N, C); out[_msk] = get_output(_texc[_msk], _view[_msk], _cond[_msk])
    # get_output is elementwise per-row, so masked scatter-overwrite == where-select.
    vals = _get_output(_texc, _view, _cond)
    zeros = jnp.zeros((_texc.shape[0], CHANNELS), dtype=jnp.float32)
    out = jnp.where(_msk[:, None], vals, zeros)
    return out.reshape(B, H, W, CHANNELS)

if __name__ == "__main__":
    import jax
    _d = setup_inputs()
    print(jax.jit(kernel)(*tuple(_d.values())))

</pallas_src>

<mosaic_0001>
#map = affine_map<(d0, d1) -> (0, 0, 0, 0)>
#map1 = affine_map<(d0, d1) -> (0, 0, 0)>
#map2 = affine_map<(d0, d1) -> (0)>
module attributes {stable_mosaic.version = 14 : i64} {
  func.func @_body(%arg0: i32, %arg1: i32, %arg2: memref<4x3x512x512xf32, #tpu.memory_space<hbm>>, %arg3: memref<4x512x512xi32, #tpu.memory_space<hbm>>, %arg4: memref<32xf32, #tpu.memory_space<hbm>>, %arg5: memref<4x3x512x512xf32, #tpu.memory_space<hbm>>, %arg6: memref<2x16x512xf32, #tpu.memory_space<vmem>>, %arg7: memref<2x16x512xi32, #tpu.memory_space<vmem>>, %arg8: memref<2x3x16x512xf32, #tpu.memory_space<vmem>>, %arg9: memref<32xf32, #tpu.memory_space<vmem>>, %arg10: memref<2x!tpu.dma_semaphore, #tpu.memory_space<semaphore_mem>>, %arg11: memref<2x!tpu.dma_semaphore, #tpu.memory_space<semaphore_mem>>, %arg12: memref<2x!tpu.dma_semaphore, #tpu.memory_space<semaphore_mem>>) attributes {dimension_semantics = [#tpu.dimension_semantics<core_parallel>, #tpu.dimension_semantics<subcore_parallel>], iteration_bounds = array<i64: 2, 16>, scalar_prefetch = 0 : i64, scratch_operands = 7 : i64, tpu.core_type = #tpu.core_type<sc_vector_subcore>, window_params = [{transform_indices = #map}, {transform_indices = #map1}, {transform_indices = #map2}, {transform_indices = #map}]} {
    %mul3A = arith.constant 2 : i32
    %mul3A_0 = arith.muli %arg1, %mul3A : i32
    %add3A = arith.addi %mul3A_0, %arg0 : i32
    %jit3A = arith.constant 8 : i32
    %div3A = arith.divsi %add3A, %jit3A : i32
    %sign3A = arith.constant 0 : i32
    %sign3A_1 = arith.cmpi sgt, %add3A, %sign3A : i32
    %sign3A_2 = arith.extui %sign3A_1 : i1 to i32
    %sign3A_3 = arith.constant 0 : i32
    %sign3A_4 = arith.cmpi slt, %add3A, %sign3A_3 : i32
    %sign3A_5 = arith.extui %sign3A_4 : i1 to i32
    %sign3A_6 = arith.subi %sign3A_2, %sign3A_5 : i32
    %sign3A_7 = arith.constant 0 : i32
    %sign3A_8 = arith.cmpi sgt, %jit3A, %sign3A_7 : i32
    %sign3A_9 = arith.extui %sign3A_8 : i1 to i32
    %sign3A_10 = arith.constant 0 : i32
    %sign3A_11 = arith.cmpi slt, %jit3A, %sign3A_10 : i32
    %sign3A_12 = arith.extui %sign3A_11 : i1 to i32
    %sign3A_13 = arith.subi %sign3A_9, %sign3A_12 : i32
    %ne3A = arith.cmpi ne, %sign3A_6, %sign3A_13 : i32
    %rem3A = arith.remsi %add3A, %jit3A : i32
    %ne3A_14 = arith.constant 0 : i32
    %ne3A_15 = arith.cmpi ne, %rem3A, %ne3A_14 : i32
    %and3A = arith.andi %ne3A, %ne3A_15 : i1
    %sub3A = arith.constant 1 : i32
    %sub3A_16 = arith.subi %div3A, %sub3A : i32
    %select_n3A = arith.select %and3A, %sub3A_16, %div3A : i32
    %jit3A_17 = arith.constant 8 : i32
    %eq3A = arith.constant 0 : i32
    %eq3A_18 = arith.cmpi eq, %jit3A_17, %eq3A : i32
    %jit3A_19 = arith.constant 1 : i32
    %select_n3A_20 = arith.select %eq3A_18, %jit3A_19, %jit3A_17 : i32
    %rem3A_21 = arith.remsi %add3A, %select_n3A_20 : i32
    %ne3A_22 = arith.constant 0 : i32
    %ne3A_23 = arith.cmpi ne, %rem3A_21, %ne3A_22 : i32
    %lt3A = arith.constant 0 : i32
    %lt3A_24 = arith.cmpi slt, %rem3A_21, %lt3A : i32
    %lt3A_25 = arith.constant 0 : i32
    %lt3A_26 = arith.cmpi slt, %select_n3A_20, %lt3A_25 : i32
    %ne3A_27 = arith.xori %lt3A_24, %lt3A_26 : i1
    %and3A_28 = arith.andi %ne3A_27, %ne3A_23 : i1
    %add3A_29 = arith.addi %rem3A_21, %select_n3A_20 : i32
    %select_n3A_30 = arith.select %and3A_28, %add3A_29, %rem3A_21 : i32
    %mul3A_31 = arith.constant 64 : i32
    %mul3A_32 = arith.muli %select_n3A_30, %mul3A_31 : i32
    "tpu.region"() ({
      %run_scoped3A = tpu.sem_alloc : memref<!tpu.dma_semaphore, #tpu.memory_space<semaphore_mem>>
      tpu.enqueue_dma source(%arg4 : memref<32xf32, #tpu.memory_space<hbm>>) target(%arg9 : memref<32xf32, #tpu.memory_space<vmem>>) target_semaphore(%run_scoped3A : memref<!tpu.dma_semaphore, #tpu.memory_space<semaphore_mem>>)
      tpu.wait_dma2 semaphore(%run_scoped3A : memref<!tpu.dma_semaphore, #tpu.memory_space<semaphore_mem>>) src(%arg4 : memref<32xf32, #tpu.memory_space<hbm>>) dst(%arg9 : memref<32xf32, #tpu.memory_space<vmem>>)
      tpu.yield
    }) : () -> ()
    %mul3A_33 = arith.constant 6 : i32
    %mul3A_34 = arith.muli %select_n3A, %mul3A_33 : i32
    %add3A_35 = arith.constant 0 : i32
    %add3A_36 = arith.addi %mul3A_34, %add3A_35 : i32
    %broadcast_in_dim3A = vector.broadcast %add3A_36 : i32 to vector<16xi32>
    %gather3A = tpu.vector_load_idx %arg9[%broadcast_in_dim3A] : memref<32xf32, #tpu.memory_space<vmem>>[vector<16xi32>], vector<16xf32>,
    %neg3A = arith.constant 0.000000e+00 : f32
    %neg3A_37 = vector.broadcast %neg3A : f32 to vector<16xf32>
    %neg3A_38 = arith.subf %neg3A_37, %gather3A : vector<16xf32>
    %exp3A = math.exp %neg3A_38 : vector<16xf32>
    %add3A_39 = arith.constant 1.000000e+00 : f32
    %add3A_40 = vector.broadcast %add3A_39 : f32 to vector<16xf32>
    %add3A_41 = arith.addf %add3A_40, %exp3A : vector<16xf32>
    %div3A_42 = arith.constant 1.000000e+00 : f32
    %div3A_43 = vector.broadcast %div3A_42 : f32 to vector<16xf32>
    %div3A_44 = arith.divf %div3A_43, %add3A_41 : vector<16xf32>
    %mul3A_45 = arith.constant 6 : i32
    %mul3A_46 = arith.muli %select_n3A, %mul3A_45 : i32
    %add3A_47 = arith.constant 1 : i32
    %add3A_48 = arith.addi %mul3A_46, %add3A_47 : i32
    %broadcast_in_dim3A_49 = vector.broadcast %add3A_48 : i32 to vector<16xi32>
    %gather3A_50 = tpu.vector_load_idx %arg9[%broadcast_in_dim3A_49] : memref<32xf32, #tpu.memory_space<vmem>>[vector<16xi32>], vector<16xf32>,
    %neg3A_51 = arith.constant 0.000000e+00 : f32
    %neg3A_52 = vector.broadcast %neg3A_51 : f32 to vector<16xf32>
    %neg3A_53 = arith.subf %neg3A_52, %gather3A_50 : vector<16xf32>
    %exp3A_54 = math.exp %neg3A_53 : vector<16xf32>
    %add3A_55 = arith.constant 1.000000e+00 : f32
    %add3A_56 = vector.broadcast %add3A_55 : f32 to vector<16xf32>
    %add3A_57 = arith.addf %add3A_56, %exp3A_54 : vector<16xf32>
    %div3A_58 = arith.constant 1.000000e+00 : f32
    %div3A_59 = vector.broadcast %div3A_58 : f32 to vector<16xf32>
    %div3A_60 = arith.divf %div3A_59, %add3A_57 : vector<16xf32>
    %mul3A_61 = arith.constant 6 : i32
    %mul3A_62 = arith.muli %select_n3A, %mul3A_61 : i32
    %add3A_63 = arith.constant 2 : i32
    %add3A_64 = arith.addi %mul3A_62, %add3A_63 : i32
    %broadcast_in_dim3A_65 = vector.broadcast %add3A_64 : i32 to vector<16xi32>
    %gather3A_66 = tpu.vector_load_idx %arg9[%broadcast_in_dim3A_65] : memref<32xf32, #tpu.memory_space<vmem>>[vector<16xi32>], vector<16xf32>,
    %neg3A_67 = arith.constant 0.000000e+00 : f32
    %neg3A_68 = vector.broadcast %neg3A_67 : f32 to vector<16xf32>
    %neg3A_69 = arith.subf %neg3A_68, %gather3A_66 : vector<16xf32>
    %exp3A_70 = math.exp %neg3A_69 : vector<16xf32>
    %add3A_71 = arith.constant 1.000000e+00 : f32
    %add3A_72 = vector.broadcast %add3A_71 : f32 to vector<16xf32>
    %add3A_73 = arith.addf %add3A_72, %exp3A_70 : vector<16xf32>
    %div3A_74 = arith.constant 1.000000e+00 : f32
    %div3A_75 = vector.broadcast %div3A_74 : f32 to vector<16xf32>
    %div3A_76 = arith.divf %div3A_75, %add3A_73 : vector<16xf32>
    %mul3A_77 = arith.constant 6 : i32
    %mul3A_78 = arith.muli %select_n3A, %mul3A_77 : i32
    %add3A_79 = arith.constant 3 : i32
    %add3A_80 = arith.addi %mul3A_78, %add3A_79 : i32
    %broadcast_in_dim3A_81 = vector.broadcast %add3A_80 : i32 to vector<16xi32>
    %gather3A_82 = tpu.vector_load_idx %arg9[%broadcast_in_dim3A_81] : memref<32xf32, #tpu.memory_space<vmem>>[vector<16xi32>], vector<16xf32>,
    %neg3A_83 = arith.constant 0.000000e+00 : f32
    %neg3A_84 = vector.broadcast %neg3A_83 : f32 to vector<16xf32>
    %neg3A_85 = arith.subf %neg3A_84, %gather3A_82 : vector<16xf32>
    %exp3A_86 = math.exp %neg3A_85 : vector<16xf32>
    %add3A_87 = arith.constant 1.000000e+00 : f32
    %add3A_88 = vector.broadcast %add3A_87 : f32 to vector<16xf32>
    %add3A_89 = arith.addf %add3A_88, %exp3A_86 : vector<16xf32>
    %div3A_90 = arith.constant 1.000000e+00 : f32
    %div3A_91 = vector.broadcast %div3A_90 : f32 to vector<16xf32>
    %div3A_92 = arith.divf %div3A_91, %add3A_89 : vector<16xf32>
    %mul3A_93 = arith.constant 6 : i32
    %mul3A_94 = arith.muli %select_n3A, %mul3A_93 : i32
    %add3A_95 = arith.constant 4 : i32
    %add3A_96 = arith.addi %mul3A_94, %add3A_95 : i32
    %broadcast_in_dim3A_97 = vector.broadcast %add3A_96 : i32 to vector<16xi32>
    %gather3A_98 = tpu.vector_load_idx %arg9[%broadcast_in_dim3A_97] : memref<32xf32, #tpu.memory_space<vmem>>[vector<16xi32>], vector<16xf32>,
    %neg3A_99 = arith.constant 0.000000e+00 : f32
    %neg3A_100 = vector.broadcast %neg3A_99 : f32 to vector<16xf32>
    %neg3A_101 = arith.subf %neg3A_100, %gather3A_98 : vector<16xf32>
    %exp3A_102 = math.exp %neg3A_101 : vector<16xf32>
    %add3A_103 = arith.constant 1.000000e+00 : f32
    %add3A_104 = vector.broadcast %add3A_103 : f32 to vector<16xf32>
    %add3A_105 = arith.addf %add3A_104, %exp3A_102 : vector<16xf32>
    %div3A_106 = arith.constant 1.000000e+00 : f32
    %div3A_107 = vector.broadcast %div3A_106 : f32 to vector<16xf32>
    %div3A_108 = arith.divf %div3A_107, %add3A_105 : vector<16xf32>
    %mul3A_109 = arith.constant 6 : i32
    %mul3A_110 = arith.muli %select_n3A, %mul3A_109 : i32
    %add3A_111 = arith.constant 5 : i32
    %add3A_112 = arith.addi %mul3A_110, %add3A_111 : i32
    %broadcast_in_dim3A_113 = vector.broadcast %add3A_112 : i32 to vector<16xi32>
    %gather3A_114 = tpu.vector_load_idx %arg9[%broadcast_in_dim3A_113] : memref<32xf32, #tpu.memory_space<vmem>>[vector<16xi32>], vector<16xf32>,
    %neg3A_115 = arith.constant 0.000000e+00 : f32
    %neg3A_116 = vector.broadcast %neg3A_115 : f32 to vector<16xf32>
    %neg3A_117 = arith.subf %neg3A_116, %gather3A_114 : vector<16xf32>
    %exp3A_118 = math.exp %neg3A_117 : vector<16xf32>
    %add3A_119 = arith.constant 1.000000e+00 : f32
    %add3A_120 = vector.broadcast %add3A_119 : f32 to vector<16xf32>
    %add3A_121 = arith.addf %add3A_120, %exp3A_118 : vector<16xf32>
    %div3A_122 = arith.constant 1.000000e+00 : f32
    %div3A_123 = vector.broadcast %div3A_122 : f32 to vector<16xf32>
    %div3A_124 = arith.divf %div3A_123, %add3A_121 : vector<16xf32>
    %broadcast_in_dim3A_125 = arith.constant 0.000000e+00 : f32
    %broadcast_in_dim3A_126 = vector.broadcast %broadcast_in_dim3A_125 : f32 to vector<16xf32>
    %add3A_127 = arith.constant 0 : i32
    %add3A_128 = arith.addi %mul3A_32, %add3A_127 : i32
    %dma_start3A = arith.constant 2 : i32
    %dma_start3A_129 = arith.constant 0 : i32
    %dma_start3A_130 = arith.constant 0 : i32
    %dma_start3A_131 = arith.constant 0 : i32
    %dma_start3A_132 = arith.constant 0 : i32
    %dma_start3A_133 = tpu.memref_slice %arg6[%dma_start3A_129, %dma_start3A_131, %dma_start3A_132] : memref<2x16x512xf32, #tpu.memory_space<vmem>> -> memref<1x16x512xf32, #tpu.memory_space<vmem>>
    %dma_start3A_134 = tpu.memref_squeeze %dma_start3A_133 : memref<1x16x512xf32, #tpu.memory_space<vmem>> -> memref<16x512xf32, #tpu.memory_space<vmem>>
    %dma_start3A_135 = arith.constant 0 : i32
    %dma_start3A_136 = tpu.memref_slice %arg2[%select_n3A, %dma_start3A, %add3A_128, %dma_start3A_135] : memref<4x3x512x512xf32, #tpu.memory_space<hbm>> -> memref<1x1x16x512xf32, #tpu.memory_space<hbm>>
    %dma_start3A_137 = tpu.memref_squeeze %dma_start3A_136 : memref<1x1x16x512xf32, #tpu.memory_space<hbm>> -> memref<16x512xf32, #tpu.memory_space<hbm>>
    %dma_start3A_138 = tpu.memref_slice %arg10[%dma_start3A_130] : memref<2x!tpu.dma_semaphore, #tpu.memory_space<semaphore_mem>> -> memref<1x!tpu.dma_semaphore, #tpu.memory_space<semaphore_mem>>
    %dma_start3A_139 = tpu.memref_squeeze %dma_start3A_138 : memref<1x!tpu.dma_semaphore, #tpu.memory_space<semaphore_mem>> -> memref<!tpu.dma_semaphore, #tpu.memory_space<semaphore_mem>>
    %dma_start3A_140 = arith.constant 0 : i32
    %dma_start3A_141 = arith.constant 0 : i32
    %dma_start3A_142 = tpu.memref_slice %arg6[%dma_start3A_129, %dma_start3A_140, %dma_start3A_141] : memref<2x16x512xf32, #tpu.memory_space<vmem>> -> memref<1x16x512xf32, #tpu.memory_space<vmem>>
    %dma_start3A_143 = tpu.memref_squeeze %dma_start3A_142 : memref<1x16x512xf32, #tpu.memory_space<vmem>> -> memref<16x512xf32, #tpu.memory_space<vmem>>
    %dma_start3A_144 = arith.constant 0 : i32
    %dma_start3A_145 = tpu.memref_slice %arg2[%select_n3A, %dma_start3A, %add3A_128, %dma_start3A_144] : memref<4x3x512x512xf32, #tpu.memory_space<hbm>> -> memref<1x1x16x512xf32, #tpu.memory_space<hbm>>
    %dma_start3A_146 = tpu.memref_squeeze %dma_start3A_145 : memref<1x1x16x512xf32, #tpu.memory_space<hbm>> -> memref<16x512xf32, #tpu.memory_space<hbm>>
    tpu.enqueue_dma source(%dma_start3A_146 : memref<16x512xf32, #tpu.memory_space<hbm>>) target(%dma_start3A_143 : memref<16x512xf32, #tpu.memory_space<vmem>>) target_semaphore(%dma_start3A_139 : memref<!tpu.dma_semaphore, #tpu.memory_space<semaphore_mem>>)
    %dma_start3A_147 = arith.constant 0 : i32
    %dma_start3A_148 = arith.constant 0 : i32
    %dma_start3A_149 = arith.constant 0 : i32
    %dma_start3A_150 = arith.constant 0 : i32
    %dma_start3A_151 = tpu.memref_slice %arg7[%dma_start3A_147, %dma_start3A_149, %dma_start3A_150] : memref<2x16x512xi32, #tpu.memory_space<vmem>> -> memref<1x16x512xi32, #tpu.memory_space<vmem>>
    %dma_start3A_152 = tpu.memref_squeeze %dma_start3A_151 : memref<1x16x512xi32, #tpu.memory_space<vmem>> -> memref<16x512xi32, #tpu.memory_space<vmem>>
    %dma_start3A_153 = arith.constant 0 : i32
    %dma_start3A_154 = tpu.memref_slice %arg3[%select_n3A, %add3A_128, %dma_start3A_153] : memref<4x512x512xi32, #tpu.memory_space<hbm>> -> memref<1x16x512xi32, #tpu.memory_space<hbm>>
    %dma_start3A_155 = tpu.memref_squeeze %dma_start3A_154 : memref<1x16x512xi32, #tpu.memory_space<hbm>> -> memref<16x512xi32, #tpu.memory_space<hbm>>
    %dma_start3A_156 = tpu.memref_slice %arg11[%dma_start3A_148] : memref<2x!tpu.dma_semaphore, #tpu.memory_space<semaphore_mem>> -> memref<1x!tpu.dma_semaphore, #tpu.memory_space<semaphore_mem>>
    %dma_start3A_157 = tpu.memref_squeeze %dma_start3A_156 : memref<1x!tpu.dma_semaphore, #tpu.memory_space<semaphore_mem>> -> memref<!tpu.dma_semaphore, #tpu.memory_space<semaphore_mem>>
    %dma_start3A_158 = arith.constant 0 : i32
    %dma_start3A_159 = arith.constant 0 : i32
    %dma_start3A_160 = tpu.memref_slice %arg7[%dma_start3A_147, %dma_start3A_158, %dma_start3A_159] : memref<2x16x512xi32, #tpu.memory_space<vmem>> -> memref<1x16x512xi32, #tpu.memory_space<vmem>>
    %dma_start3A_161 = tpu.memref_squeeze %dma_start3A_160 : memref<1x16x512xi32, #tpu.memory_space<vmem>> -> memref<16x512xi32, #tpu.memory_space<vmem>>
    %dma_start3A_162 = arith.constant 0 : i32
    %dma_start3A_163 = tpu.memref_slice %arg3[%select_n3A, %add3A_128, %dma_start3A_162] : memref<4x512x512xi32, #tpu.memory_space<hbm>> -> memref<1x16x512xi32, #tpu.memory_space<hbm>>
    %dma_start3A_164 = tpu.memref_squeeze %dma_start3A_163 : memref<1x16x512xi32, #tpu.memory_space<hbm>> -> memref<16x512xi32, #tpu.memory_space<hbm>>
    tpu.enqueue_dma source(%dma_start3A_164 : memref<16x512xi32, #tpu.memory_space<hbm>>) target(%dma_start3A_161 : memref<16x512xi32, #tpu.memory_space<vmem>>) target_semaphore(%dma_start3A_157 : memref<!tpu.dma_semaphore, #tpu.memory_space<semaphore_mem>>)
    %add3A_165 = arith.constant 16 : i32
    %add3A_166 = arith.addi %mul3A_32, %add3A_165 : i32
    %dma_start3A_167 = arith.constant 2 : i32
    %dma_start3A_168 = arith.constant 1 : i32
    %dma_start3A_169 = arith.constant 1 : i32
    %dma_start3A_170 = arith.constant 0 : i32
    %dma_start3A_171 = arith.constant 0 : i32
    %dma_start3A_172 = tpu.memref_slice %arg6[%dma_start3A_168, %dma_start3A_170, %dma_start3A_171] : memref<2x16x512xf32, #tpu.memory_space<vmem>> -> memref<1x16x512xf32, #tpu.memory_space<vmem>>
    %dma_start3A_173 = tpu.memref_squeeze %dma_start3A_172 : memref<1x16x512xf32, #tpu.memory_space<vmem>> -> memref<16x512xf32, #tpu.memory_space<vmem>>
    %dma_start3A_174 = arith.constant 0 : i32
    %dma_start3A_175 = tpu.memref_slice %arg2[%select_n3A, %dma_start3A_167, %add3A_166, %dma_start3A_174] : memref<4x3x512x512xf32, #tpu.memory_space<hbm>> -> memref<1x1x16x512xf32, #tpu.memory_space<hbm>>
    %dma_start3A_176 = tpu.memref_squeeze %dma_start3A_175 : memref<1x1x16x512xf32, #tpu.memory_space<hbm>> -> memref<16x512xf32, #tpu.memory_space<hbm>>
    %dma_start3A_177 = tpu.memref_slice %arg10[%dma_start3A_169] : memref<2x!tpu.dma_semaphore, #tpu.memory_space<semaphore_mem>> -> memref<1x!tpu.dma_semaphore, #tpu.memory_space<semaphore_mem>>
    %dma_start3A_178 = tpu.memref_squeeze %dma_start3A_177 : memref<1x!tpu.dma_semaphore, #tpu.memory_space<semaphore_mem>> -> memref<!tpu.dma_semaphore, #tpu.memory_space<semaphore_mem>>
    %dma_start3A_179 = arith.constant 0 : i32
    %dma_start3A_180 = arith.constant 0 : i32
    %dma_start3A_181 = tpu.memref_slice %arg6[%dma_start3A_168, %dma_start3A_179, %dma_start3A_180] : memref<2x16x512xf32, #tpu.memory_space<vmem>> -> memref<1x16x512xf32, #tpu.memory_space<vmem>>
    %dma_start3A_182 = tpu.memref_squeeze %dma_start3A_181 : memref<1x16x512xf32, #tpu.memory_space<vmem>> -> memref<16x512xf32, #tpu.memory_space<vmem>>
    %dma_start3A_183 = arith.constant 0 : i32
    %dma_start3A_184 = tpu.memref_slice %arg2[%select_n3A, %dma_start3A_167, %add3A_166, %dma_start3A_183] : memref<4x3x512x512xf32, #tpu.memory_space<hbm>> -> memref<1x1x16x512xf32, #tpu.memory_space<hbm>>
    %dma_start3A_185 = tpu.memref_squeeze %dma_start3A_184 : memref<1x1x16x512xf32, #tpu.memory_space<hbm>> -> memref<16x512xf32, #tpu.memory_space<hbm>>
    tpu.enqueue_dma source(%dma_start3A_185 : memref<16x512xf32, #tpu.memory_space<hbm>>) target(%dma_start3A_182 : memref<16x512xf32, #tpu.memory_space<vmem>>) target_semaphore(%dma_start3A_178 : memref<!tpu.dma_semaphore, #tpu.memory_space<semaphore_mem>>)
    %dma_start3A_186 = arith.constant 1 : i32
    %dma_start3A_187 = arith.constant 1 : i32
    %dma_start3A_188 = arith.constant 0 : i32
    %dma_start3A_189 = arith.constant 0 : i32
    %dma_start3A_190 = tpu.memref_slice %arg7[%dma_start3A_186, %dma_start3A_188, %dma_start3A_189] : memref<2x16x512xi32, #tpu.memory_space<vmem>> -> memref<1x16x512xi32, #tpu.memory_space<vmem>>
    %dma_start3A_191 = tpu.memref_squeeze %dma_start3A_190 : memref<1x16x512xi32, #tpu.memory_space<vmem>> -> memref<16x512xi32, #tpu.memory_space<vmem>>
    %dma_start3A_192 = arith.constant 0 : i32
    %dma_start3A_193 = tpu.memref_slice %arg3[%select_n3A, %add3A_166, %dma_start3A_192] : memref<4x512x512xi32, #tpu.memory_space<hbm>> -> memref<1x16x512xi32, #tpu.memory_space<hbm>>
    %dma_start3A_194 = tpu.memref_squeeze %dma_start3A_193 : memref<1x16x512xi32, #tpu.memory_space<hbm>> -> memref<16x512xi32, #tpu.memory_space<hbm>>
    %dma_start3A_195 = tpu.memref_slice %arg11[%dma_start3A_187] : memref<2x!tpu.dma_semaphore, #tpu.memory_space<semaphore_mem>> -> memref<1x!tpu.dma_semaphore, #tpu.memory_space<semaphore_mem>>
    %dma_start3A_196 = tpu.memref_squeeze %dma_start3A_195 : memref<1x!tpu.dma_semaphore, #tpu.memory_space<semaphore_mem>> -> memref<!tpu.dma_semaphore, #tpu.memory_space<semaphore_mem>>
    %dma_start3A_197 = arith.constant 0 : i32
    %dma_start3A_198 = arith.constant 0 : i32
    %dma_start3A_199 = tpu.memref_slice %arg7[%dma_start3A_186, %dma_start3A_197, %dma_start3A_198] : memref<2x16x512xi32, #tpu.memory_space<vmem>> -> memref<1x16x512xi32, #tpu.memory_space<vmem>>
    %dma_start3A_200 = tpu.memref_squeeze %dma_start3A_199 : memref<1x16x512xi32, #tpu.memory_space<vmem>> -> memref<16x512xi32, #tpu.memory_space<vmem>>
    %dma_start3A_201 = arith.constant 0 : i32
    %dma_start3A_202 = tpu.memref_slice %arg3[%select_n3A, %add3A_166, %dma_start3A_201] : memref<4x512x512xi32, #tpu.memory_space<hbm>> -> memref<1x16x512xi32, #tpu.memory_space<hbm>>
    %dma_start3A_203 = tpu.memref_squeeze %dma_start3A_202 : memref<1x16x512xi32, #tpu.memory_space<hbm>> -> memref<16x512xi32, #tpu.memory_space<hbm>>
    tpu.enqueue_dma source(%dma_start3A_203 : memref<16x512xi32, #tpu.memory_space<hbm>>) target(%dma_start3A_200 : memref<16x512xi32, #tpu.memory_space<vmem>>) target_semaphore(%dma_start3A_196 : memref<!tpu.dma_semaphore, #tpu.memory_space<semaphore_mem>>)
    %dma_wait3A = arith.constant 2 : i32
    %dma_wait3A_204 = arith.constant 0 : i32
    %dma_wait3A_205 = arith.constant 0 : i32
    %dma_wait3A_206 = arith.constant 0 : i32
    %dma_wait3A_207 = arith.constant 0 : i32
    %dma_wait3A_208 = tpu.memref_slice %arg6[%dma_wait3A_204, %dma_wait3A_206, %dma_wait3A_207] : memref<2x16x512xf32, #tpu.memory_space<vmem>> -> memref<1x16x512xf32, #tpu.memory_space<vmem>>
    %dma_wait3A_209 = tpu.memref_squeeze %dma_wait3A_208 : memref<1x16x512xf32, #tpu.memory_space<vmem>> -> memref<16x512xf32, #tpu.memory_space<vmem>>
    %dma_wait3A_210 = arith.constant 0 : i32
    %dma_wait3A_211 = tpu.memref_slice %arg2[%select_n3A, %dma_wait3A, %add3A_128, %dma_wait3A_210] : memref<4x3x512x512xf32, #tpu.memory_space<hbm>> -> memref<1x1x16x512xf32, #tpu.memory_space<hbm>>
    %dma_wait3A_212 = tpu.memref_squeeze %dma_wait3A_211 : memref<1x1x16x512xf32, #tpu.memory_space<hbm>> -> memref<16x512xf32, #tpu.memory_space<hbm>>
    %dma_wait3A_213 = tpu.memref_slice %arg10[%dma_wait3A_205] : memref<2x!tpu.dma_semaphore, #tpu.memory_space<semaphore_mem>> -> memref<1x!tpu.dma_semaphore, #tpu.memory_space<semaphore_mem>>
    %dma_wait3A_214 = tpu.memref_squeeze %dma_wait3A_213 : memref<1x!tpu.dma_semaphore, #tpu.memory_space<semaphore_mem>> -> memref<!tpu.dma_semaphore, #tpu.memory_space<semaphore_mem>>
    %dma_wait3A_215 = arith.constant 0 : i32
    %dma_wait3A_216 = arith.constant 0 : i32
    %dma_wait3A_217 = tpu.memref_slice %arg6[%dma_wait3A_204, %dma_wait3A_215, %dma_wait3A_216] : memref<2x16x512xf32, #tpu.memory_space<vmem>> -> memref<1x16x512xf32, #tpu.memory_space<vmem>>
    %dma_wait3A_218 = tpu.memref_squeeze %dma_wait3A_217 : memref<1x16x512xf32, #tpu.memory_space<vmem>> -> memref<16x512xf32, #tpu.memory_space<vmem>>
    %dma_wait3A_219 = arith.constant 0 : i32
    %dma_wait3A_220 = tpu.memref_slice %arg2[%select_n3A, %dma_wait3A, %add3A_128, %dma_wait3A_219] : memref<4x3x512x512xf32, #tpu.memory_space<hbm>> -> memref<1x1x16x512xf32, #tpu.memory_space<hbm>>
    %dma_wait3A_221 = tpu.memref_squeeze %dma_wait3A_220 : memref<1x1x16x512xf32, #tpu.memory_space<hbm>> -> memref<16x512xf32, #tpu.memory_space<hbm>>
    tpu.wait_dma2 semaphore(%dma_wait3A_214 : memref<!tpu.dma_semaphore, #tpu.memory_space<semaphore_mem>>) src(%dma_wait3A_221 : memref<16x512xf32, #tpu.memory_space<hbm>>) dst(%dma_wait3A_218 : memref<16x512xf32, #tpu.memory_space<vmem>>)
    %dma_wait3A_222 = arith.constant 0 : i32
    %dma_wait3A_223 = arith.constant 0 : i32
    %dma_wait3A_224 = arith.constant 0 : i32
    %dma_wait3A_225 = arith.constant 0 : i32
    %dma_wait3A_226 = tpu.memref_slice %arg7[%dma_wait3A_222, %dma_wait3A_224, %dma_wait3A_225] : memref<2x16x512xi32, #tpu.memory_space<vmem>> -> memref<1x16x512xi32, #tpu.memory_space<vmem>>
    %dma_wait3A_227 = tpu.memref_squeeze %dma_wait3A_226 : memref<1x16x512xi32, #tpu.memory_space<vmem>> -> memref<16x512xi32, #tpu.memory_space<vmem>>
    %dma_wait3A_228 = arith.constant 0 : i32
    %dma_wait3A_229 = tpu.memref_slice %arg3[%select_n3A, %add3A_128, %dma_wait3A_228] : memref<4x512x512xi32, #tpu.memory_space<hbm>> -> memref<1x16x512xi32, #tpu.memory_space<hbm>>
    %dma_wait3A_230 = tpu.memref_squeeze %dma_wait3A_229 : memref<1x16x512xi32, #tpu.memory_space<hbm>> -> memref<16x512xi32, #tpu.memory_space<hbm>>
    %dma_wait3A_231 = tpu.memref_slice %arg11[%dma_wait3A_223] : memref<2x!tpu.dma_semaphore, #tpu.memory_space<semaphore_mem>> -> memref<1x!tpu.dma_semaphore, #tpu.memory_space<semaphore_mem>>
    %dma_wait3A_232 = tpu.memref_squeeze %dma_wait3A_231 : memref<1x!tpu.dma_semaphore, #tpu.memory_space<semaphore_mem>> -> memref<!tpu.dma_semaphore, #tpu.memory_space<semaphore_mem>>
    %dma_wait3A_233 = arith.constant 0 : i32
    %dma_wait3A_234 = arith.constant 0 : i32
    %dma_wait3A_235 = tpu.memref_slice %arg7[%dma_wait3A_222, %dma_wait3A_233, %dma_wait3A_234] : memref<2x16x512xi32, #tpu.memory_space<vmem>> -> memref<1x16x512xi32, #tpu.memory_space<vmem>>
    %dma_wait3A_236 = tpu.memref_squeeze %dma_wait3A_235 : memref<1x16x512xi32, #tpu.memory_space<vmem>> -> memref<16x512xi32, #tpu.memory_space<vmem>>
    %dma_wait3A_237 = arith.constant 0 : i32
    %dma_wait3A_238 = tpu.memref_slice %arg3[%select_n3A, %add3A_128, %dma_wait3A_237] : memref<4x512x512xi32, #tpu.memory_space<hbm>> -> memref<1x16x512xi32, #tpu.memory_space<hbm>>
    %dma_wait3A_239 = tpu.memref_squeeze %dma_wait3A_238 : memref<1x16x512xi32, #tpu.memory_space<hbm>> -> memref<16x512xi32, #tpu.memory_space<hbm>>
    tpu.wait_dma2 semaphore(%dma_wait3A_232 : memref<!tpu.dma_semaphore, #tpu.memory_space<semaphore_mem>>) src(%dma_wait3A_239 : memref<16x512xi32, #tpu.memory_space<hbm>>) dst(%dma_wait3A_236 : memref<16x512xi32, #tpu.memory_space<vmem>>)
    %parallel_loop3A = arith.constant 0 : i32
    %parallel_loop3A_240 = arith.constant 512 : i32
    %parallel_loop3A_241 = arith.constant 1 : i32
    scf.for %parallel_loop3A_624 = %parallel_loop3A to %parallel_loop3A_240 step %parallel_loop3A_241  : i32 {
      %parallel_loop3A_625 = arith.constant 32 : i32
      %parallel_loop3A_626 = arith.divsi %parallel_loop3A_624, %parallel_loop3A_625 : i32
      %parallel_loop3A_627 = arith.constant 0 : i32
      %parallel_loop3A_628 = arith.cmpi sgt, %parallel_loop3A_624, %parallel_loop3A_627 : i32
      %parallel_loop3A_629 = arith.extui %parallel_loop3A_628 : i1 to i32
      %parallel_loop3A_630 = arith.constant 0 : i32
      %parallel_loop3A_631 = arith.cmpi slt, %parallel_loop3A_624, %parallel_loop3A_630 : i32
      %parallel_loop3A_632 = arith.extui %parallel_loop3A_631 : i1 to i32
      %parallel_loop3A_633 = arith.subi %parallel_loop3A_629, %parallel_loop3A_632 : i32
      %parallel_loop3A_634 = arith.constant 0 : i32
      %parallel_loop3A_635 = arith.cmpi sgt, %parallel_loop3A_625, %parallel_loop3A_634 : i32
      %parallel_loop3A_636 = arith.extui %parallel_loop3A_635 : i1 to i32
      %parallel_loop3A_637 = arith.constant 0 : i32
      %parallel_loop3A_638 = arith.cmpi slt, %parallel_loop3A_625, %parallel_loop3A_637 : i32
      %parallel_loop3A_639 = arith.extui %parallel_loop3A_638 : i1 to i32
      %parallel_loop3A_640 = arith.subi %parallel_loop3A_636, %parallel_loop3A_639 : i32
      %parallel_loop3A_641 = arith.cmpi ne, %parallel_loop3A_633, %parallel_loop3A_640 : i32
      %parallel_loop3A_642 = arith.remsi %parallel_loop3A_624, %parallel_loop3A_625 : i32
      %parallel_loop3A_643 = arith.constant 0 : i32
      %parallel_loop3A_644 = arith.cmpi ne, %parallel_loop3A_642, %parallel_loop3A_643 : i32
      %parallel_loop3A_645 = arith.andi %parallel_loop3A_641, %parallel_loop3A_644 : i1
      %parallel_loop3A_646 = arith.constant 1 : i32
      %parallel_loop3A_647 = arith.subi %parallel_loop3A_626, %parallel_loop3A_646 : i32
      %parallel_loop3A_648 = arith.select %parallel_loop3A_645, %parallel_loop3A_647, %parallel_loop3A_626 : i32
      %parallel_loop3A_649 = arith.constant 32 : i32
      %parallel_loop3A_650 = arith.constant 0 : i32
      %parallel_loop3A_651 = arith.cmpi eq, %parallel_loop3A_649, %parallel_loop3A_650 : i32
      %parallel_loop3A_652 = arith.constant 1 : i32
      %parallel_loop3A_653 = arith.select %parallel_loop3A_651, %parallel_loop3A_652, %parallel_loop3A_649 : i32
      %parallel_loop3A_654 = arith.remsi %parallel_loop3A_624, %parallel_loop3A_653 : i32
      %parallel_loop3A_655 = arith.constant 0 : i32
      %parallel_loop3A_656 = arith.cmpi ne, %parallel_loop3A_654, %parallel_loop3A_655 : i32
      %parallel_loop3A_657 = arith.constant 0 : i32
      %parallel_loop3A_658 = arith.cmpi slt, %parallel_loop3A_654, %parallel_loop3A_657 : i32
      %parallel_loop3A_659 = arith.constant 0 : i32
      %parallel_loop3A_660 = arith.cmpi slt, %parallel_loop3A_653, %parallel_loop3A_659 : i32
      %parallel_loop3A_661 = arith.xori %parallel_loop3A_658, %parallel_loop3A_660 : i1
      %parallel_loop3A_662 = arith.andi %parallel_loop3A_661, %parallel_loop3A_656 : i1
      %parallel_loop3A_663 = arith.addi %parallel_loop3A_654, %parallel_loop3A_653 : i32
      %parallel_loop3A_664 = arith.select %parallel_loop3A_662, %parallel_loop3A_663, %parallel_loop3A_654 : i32
      %parallel_loop3A_665 = arith.constant 16 : i32
      %parallel_loop3A_666 = arith.muli %parallel_loop3A_664, %parallel_loop3A_665 : i32
      %parallel_loop3A_667 = arith.constant 0 : i32
      %parallel_loop3A_668 = arith.index_cast %parallel_loop3A_667 : i32 to index
      %parallel_loop3A_669 = arith.index_cast %parallel_loop3A_648 : i32 to index
      %parallel_loop3A_670 = arith.index_cast %parallel_loop3A_666 : i32 to index
      %parallel_loop3A_671 = tpu.vector_load %arg6[%parallel_loop3A_668, %parallel_loop3A_669, %parallel_loop3A_670] {strides = array<i32>} : memref<2x16x512xf32, #tpu.memory_space<vmem>>, vector<16xf32>,
      %parallel_loop3A_672 = arith.constant 0 : i32
      %parallel_loop3A_673 = arith.index_cast %parallel_loop3A_672 : i32 to index
      %parallel_loop3A_674 = arith.index_cast %parallel_loop3A_648 : i32 to index
      %parallel_loop3A_675 = arith.index_cast %parallel_loop3A_666 : i32 to index
      %parallel_loop3A_676 = tpu.vector_load %arg7[%parallel_loop3A_673, %parallel_loop3A_674, %parallel_loop3A_675] {strides = array<i32>} : memref<2x16x512xi32, #tpu.memory_space<vmem>>, vector<16xi32>,
      %parallel_loop3A_677 = arith.constant -1.000000e+00 : f32
      %parallel_loop3A_678 = vector.broadcast %parallel_loop3A_677 : f32 to vector<16xf32>
      %parallel_loop3A_679 = arith.cmpf ogt, %parallel_loop3A_671, %parallel_loop3A_678 : vector<16xf32>
      %parallel_loop3A_680 = arith.constant 1 : i32
      %parallel_loop3A_681 = vector.broadcast %parallel_loop3A_680 : i32 to vector<16xi32>
      %parallel_loop3A_682 = arith.cmpi eq, %parallel_loop3A_676, %parallel_loop3A_681 : vector<16xi32>
      %parallel_loop3A_683 = arith.select %parallel_loop3A_679, %div3A_44, %div3A_92 : vector<16xi1>, vector<16xf32>
      %parallel_loop3A_684 = arith.select %parallel_loop3A_682, %parallel_loop3A_683, %broadcast_in_dim3A_126 : vector<16xi1>, vector<16xf32>
      %parallel_loop3A_685 = arith.constant 0 : i32
      %parallel_loop3A_686 = arith.constant 0 : i32
      %parallel_loop3A_687 = arith.index_cast %parallel_loop3A_685 : i32 to index
      %parallel_loop3A_688 = arith.index_cast %parallel_loop3A_686 : i32 to index
      %parallel_loop3A_689 = arith.index_cast %parallel_loop3A_648 : i32 to index
      %parallel_loop3A_690 = arith.index_cast %parallel_loop3A_666 : i32 to index
      %parallel_loop3A_691 = tpu.vector_load %arg8[%parallel_loop3A_687, %parallel_loop3A_688, %parallel_loop3A_689, %parallel_loop3A_690] {strides = array<i32>} : memref<2x3x16x512xf32, #tpu.memory_space<vmem>>, vector<16xf32>,
      tpu.vector_store %arg8[%parallel_loop3A_687, %parallel_loop3A_688, %parallel_loop3A_689, %parallel_loop3A_690], %parallel_loop3A_684 {strides = array<i32>} : memref<2x3x16x512xf32, #tpu.memory_space<vmem>>, vector<16xf32>,
      %parallel_loop3A_692 = arith.select %parallel_loop3A_679, %div3A_60, %div3A_108 : vector<16xi1>, vector<16xf32>
      %parallel_loop3A_693 = arith.select %parallel_loop3A_682, %parallel_loop3A_692, %broadcast_in_dim3A_126 : vector<16xi1>, vector<16xf32>
      %parallel_loop3A_694 = arith.constant 0 : i32
      %parallel_loop3A_695 = arith.constant 1 : i32
      %parallel_loop3A_696 = arith.index_cast %parallel_loop3A_694 : i32 to index
      %parallel_loop3A_697 = arith.index_cast %parallel_loop3A_695 : i32 to index
      %parallel_loop3A_698 = arith.index_cast %parallel_loop3A_648 : i32 to index
      %parallel_loop3A_699 = arith.index_cast %parallel_loop3A_666 : i32 to index
      %parallel_loop3A_700 = tpu.vector_load %arg8[%parallel_loop3A_696, %parallel_loop3A_697, %parallel_loop3A_698, %parallel_loop3A_699] {strides = array<i32>} : memref<2x3x16x512xf32, #tpu.memory_space<vmem>>, vector<16xf32>,
      tpu.vector_store %arg8[%parallel_loop3A_696, %parallel_loop3A_697, %parallel_loop3A_698, %parallel_loop3A_699], %parallel_loop3A_693 {strides = array<i32>} : memref<2x3x16x512xf32, #tpu.memory_space<vmem>>, vector<16xf32>,
      %parallel_loop3A_701 = arith.select %parallel_loop3A_679, %div3A_76, %div3A_124 : vector<16xi1>, vector<16xf32>
      %parallel_loop3A_702 = arith.select %parallel_loop3A_682, %parallel_loop3A_701, %broadcast_in_dim3A_126 : vector<16xi1>, vector<16xf32>
      %parallel_loop3A_703 = arith.constant 0 : i32
      %parallel_loop3A_704 = arith.constant 2 : i32
      %parallel_loop3A_705 = arith.index_cast %parallel_loop3A_703 : i32 to index
      %parallel_loop3A_706 = arith.index_cast %parallel_loop3A_704 : i32 to index
      %parallel_loop3A_707 = arith.index_cast %parallel_loop3A_648 : i32 to index
      %parallel_loop3A_708 = arith.index_cast %parallel_loop3A_666 : i32 to index
      %parallel_loop3A_709 = tpu.vector_load %arg8[%parallel_loop3A_705, %parallel_loop3A_706, %parallel_loop3A_707, %parallel_loop3A_708] {strides = array<i32>} : memref<2x3x16x512xf32, #tpu.memory_space<vmem>>, vector<16xf32>,
      tpu.vector_store %arg8[%parallel_loop3A_705, %parallel_loop3A_706, %parallel_loop3A_707, %parallel_loop3A_708], %parallel_loop3A_702 {strides = array<i32>} : memref<2x3x16x512xf32, #tpu.memory_space<vmem>>, vector<16xf32>,
    } {sc.loop_unroll_factor = 8 : i64, sc.parallel_access}
    %add3A_242 = arith.constant 0 : i32
    %add3A_243 = arith.addi %mul3A_32, %add3A_242 : i32
    %dma_start3A_244 = arith.constant 0 : i32
    %dma_start3A_245 = arith.constant 0 : i32
    %dma_start3A_246 = arith.constant 0 : i32
    %dma_start3A_247 = arith.constant 0 : i32
    %dma_start3A_248 = arith.constant 0 : i32
    %dma_start3A_249 = tpu.memref_slice %arg8[%dma_start3A_244, %dma_start3A_246, %dma_start3A_247, %dma_start3A_248] : memref<2x3x16x512xf32, #tpu.memory_space<vmem>> -> memref<1x3x16x512xf32, #tpu.memory_space<vmem>>
    %dma_start3A_250 = tpu.memref_squeeze %dma_start3A_249 : memref<1x3x16x512xf32, #tpu.memory_space<vmem>> -> memref<3x16x512xf32, #tpu.memory_space<vmem>>
    %dma_start3A_251 = arith.constant 0 : i32
    %dma_start3A_252 = arith.constant 0 : i32
    %dma_start3A_253 = tpu.memref_slice %arg5[%select_n3A, %dma_start3A_251, %add3A_243, %dma_start3A_252] : memref<4x3x512x512xf32, #tpu.memory_space<hbm>> -> memref<1x3x16x512xf32, #tpu.memory_space<hbm>>
    %dma_start3A_254 = tpu.memref_squeeze %dma_start3A_253 : memref<1x3x16x512xf32, #tpu.memory_space<hbm>> -> memref<3x16x512xf32, #tpu.memory_space<hbm>>
    %dma_start3A_255 = tpu.memref_slice %arg12[%dma_start3A_245] : memref<2x!tpu.dma_semaphore, #tpu.memory_space<semaphore_mem>> -> memref<1x!tpu.dma_semaphore, #tpu.memory_space<semaphore_mem>>
    %dma_start3A_256 = tpu.memref_squeeze %dma_start3A_255 : memref<1x!tpu.dma_semaphore, #tpu.memory_space<semaphore_mem>> -> memref<!tpu.dma_semaphore, #tpu.memory_space<semaphore_mem>>
    %dma_start3A_257 = arith.constant 0 : i32
    %dma_start3A_258 = arith.constant 0 : i32
    %dma_start3A_259 = tpu.memref_slice %arg5[%select_n3A, %dma_start3A_257, %add3A_243, %dma_start3A_258] : memref<4x3x512x512xf32, #tpu.memory_space<hbm>> -> memref<1x3x16x512xf32, #tpu.memory_space<hbm>>
    %dma_start3A_260 = tpu.memref_squeeze %dma_start3A_259 : memref<1x3x16x512xf32, #tpu.memory_space<hbm>> -> memref<3x16x512xf32, #tpu.memory_space<hbm>>
    %dma_start3A_261 = arith.constant 0 : i32
    %dma_start3A_262 = arith.constant 0 : i32
    %dma_start3A_263 = arith.constant 0 : i32
    %dma_start3A_264 = tpu.memref_slice %arg8[%dma_start3A_244, %dma_start3A_261, %dma_start3A_262, %dma_start3A_263] : memref<2x3x16x512xf32, #tpu.memory_space<vmem>> -> memref<1x3x16x512xf32, #tpu.memory_space<vmem>>
    %dma_start3A_265 = tpu.memref_squeeze %dma_start3A_264 : memref<1x3x16x512xf32, #tpu.memory_space<vmem>> -> memref<3x16x512xf32, #tpu.memory_space<vmem>>
    tpu.enqueue_dma source(%dma_start3A_265 : memref<3x16x512xf32, #tpu.memory_space<vmem>>) target(%dma_start3A_260 : memref<3x16x512xf32, #tpu.memory_space<hbm>>) target_semaphore(%dma_start3A_256 : memref<!tpu.dma_semaphore, #tpu.memory_space<semaphore_mem>>)
    %add3A_266 = arith.constant 32 : i32
    %add3A_267 = arith.addi %mul3A_32, %add3A_266 : i32
    %dma_start3A_268 = arith.constant 2 : i32
    %dma_start3A_269 = arith.constant 0 : i32
    %dma_start3A_270 = arith.constant 0 : i32
    %dma_start3A_271 = arith.constant 0 : i32
    %dma_start3A_272 = arith.constant 0 : i32
    %dma_start3A_273 = tpu.memref_slice %arg6[%dma_start3A_269, %dma_start3A_271, %dma_start3A_272] : memref<2x16x512xf32, #tpu.memory_space<vmem>> -> memref<1x16x512xf32, #tpu.memory_space<vmem>>
    %dma_start3A_274 = tpu.memref_squeeze %dma_start3A_273 : memref<1x16x512xf32, #tpu.memory_space<vmem>> -> memref<16x512xf32, #tpu.memory_space<vmem>>
    %dma_start3A_275 = arith.constant 0 : i32
    %dma_start3A_276 = tpu.memref_slice %arg2[%select_n3A, %dma_start3A_268, %add3A_267, %dma_start3A_275] : memref<4x3x512x512xf32, #tpu.memory_space<hbm>> -> memref<1x1x16x512xf32, #tpu.memory_space<hbm>>
    %dma_start3A_277 = tpu.memref_squeeze %dma_start3A_276 : memref<1x1x16x512xf32, #tpu.memory_space<hbm>> -> memref<16x512xf32, #tpu.memory_space<hbm>>
    %dma_start3A_278 = tpu.memref_slice %arg10[%dma_start3A_270] : memref<2x!tpu.dma_semaphore, #tpu.memory_space<semaphore_mem>> -> memref<1x!tpu.dma_semaphore, #tpu.memory_space<semaphore_mem>>
    %dma_start3A_279 = tpu.memref_squeeze %dma_start3A_278 : memref<1x!tpu.dma_semaphore, #tpu.memory_space<semaphore_mem>> -> memref<!tpu.dma_semaphore, #tpu.memory_space<semaphore_mem>>
    %dma_start3A_280 = arith.constant 0 : i32
    %dma_start3A_281 = arith.constant 0 : i32
    %dma_start3A_282 = tpu.memref_slice %arg6[%dma_start3A_269, %dma_start3A_280, %dma_start3A_281] : memref<2x16x512xf32, #tpu.memory_space<vmem>> -> memref<1x16x512xf32, #tpu.memory_space<vmem>>
    %dma_start3A_283 = tpu.memref_squeeze %dma_start3A_282 : memref<1x16x512xf32, #tpu.memory_space<vmem>> -> memref<16x512xf32, #tpu.memory_space<vmem>>
    %dma_start3A_284 = arith.constant 0 : i32
    %dma_start3A_285 = tpu.memref_slice %arg2[%select_n3A, %dma_start3A_268, %add3A_267, %dma_start3A_284] : memref<4x3x512x512xf32, #tpu.memory_space<hbm>> -> memref<1x1x16x512xf32, #tpu.memory_space<hbm>>
    %dma_start3A_286 = tpu.memref_squeeze %dma_start3A_285 : memref<1x1x16x512xf32, #tpu.memory_space<hbm>> -> memref<16x512xf32, #tpu.memory_space<hbm>>
    tpu.enqueue_dma source(%dma_start3A_286 : memref<16x512xf32, #tpu.memory_space<hbm>>) target(%dma_start3A_283 : memref<16x512xf32, #tpu.memory_space<vmem>>) target_semaphore(%dma_start3A_279 : memref<!tpu.dma_semaphore, #tpu.memory_space<semaphore_mem>>)
    %dma_start3A_287 = arith.constant 0 : i32
    %dma_start3A_288 = arith.constant 0 : i32
    %dma_start3A_289 = arith.constant 0 : i32
    %dma_start3A_290 = arith.constant 0 : i32
    %dma_start3A_291 = tpu.memref_slice %arg7[%dma_start3A_287, %dma_start3A_289, %dma_start3A_290] : memref<2x16x512xi32, #tpu.memory_space<vmem>> -> memref<1x16x512xi32, #tpu.memory_space<vmem>>
    %dma_start3A_292 = tpu.memref_squeeze %dma_start3A_291 : memref<1x16x512xi32, #tpu.memory_space<vmem>> -> memref<16x512xi32, #tpu.memory_space<vmem>>
    %dma_start3A_293 = arith.constant 0 : i32
    %dma_start3A_294 = tpu.memref_slice %arg3[%select_n3A, %add3A_267, %dma_start3A_293] : memref<4x512x512xi32, #tpu.memory_space<hbm>> -> memref<1x16x512xi32, #tpu.memory_space<hbm>>
    %dma_start3A_295 = tpu.memref_squeeze %dma_start3A_294 : memref<1x16x512xi32, #tpu.memory_space<hbm>> -> memref<16x512xi32, #tpu.memory_space<hbm>>
    %dma_start3A_296 = tpu.memref_slice %arg11[%dma_start3A_288] : memref<2x!tpu.dma_semaphore, #tpu.memory_space<semaphore_mem>> -> memref<1x!tpu.dma_semaphore, #tpu.memory_space<semaphore_mem>>
    %dma_start3A_297 = tpu.memref_squeeze %dma_start3A_296 : memref<1x!tpu.dma_semaphore, #tpu.memory_space<semaphore_mem>> -> memref<!tpu.dma_semaphore, #tpu.memory_space<semaphore_mem>>
    %dma_start3A_298 = arith.constant 0 : i32
    %dma_start3A_299 = arith.constant 0 : i32
    %dma_start3A_300 = tpu.memref_slice %arg7[%dma_start3A_287, %dma_start3A_298, %dma_start3A_299] : memref<2x16x512xi32, #tpu.memory_space<vmem>> -> memref<1x16x512xi32, #tpu.memory_space<vmem>>
    %dma_start3A_301 = tpu.memref_squeeze %dma_start3A_300 : memref<1x16x512xi32, #tpu.memory_space<vmem>> -> memref<16x512xi32, #tpu.memory_space<vmem>>
    %dma_start3A_302 = arith.constant 0 : i32
    %dma_start3A_303 = tpu.memref_slice %arg3[%select_n3A, %add3A_267, %dma_start3A_302] : memref<4x512x512xi32, #tpu.memory_space<hbm>> -> memref<1x16x512xi32, #tpu.memory_space<hbm>>
    %dma_start3A_304 = tpu.memref_squeeze %dma_start3A_303 : memref<1x16x512xi32, #tpu.memory_space<hbm>> -> memref<16x512xi32, #tpu.memory_space<hbm>>
    tpu.enqueue_dma source(%dma_start3A_304 : memref<16x512xi32, #tpu.memory_space<hbm>>) target(%dma_start3A_301 : memref<16x512xi32, #tpu.memory_space<vmem>>) target_semaphore(%dma_start3A_297 : memref<!tpu.dma_semaphore, #tpu.memory_space<semaphore_mem>>)
    %dma_wait3A_305 = arith.constant 2 : i32
    %dma_wait3A_306 = arith.constant 1 : i32
    %dma_wait3A_307 = arith.constant 1 : i32
    %dma_wait3A_308 = arith.constant 0 : i32
    %dma_wait3A_309 = arith.constant 0 : i32
    %dma_wait3A_310 = tpu.memref_slice %arg6[%dma_wait3A_306, %dma_wait3A_308, %dma_wait3A_309] : memref<2x16x512xf32, #tpu.memory_space<vmem>> -> memref<1x16x512xf32, #tpu.memory_space<vmem>>
    %dma_wait3A_311 = tpu.memref_squeeze %dma_wait3A_310 : memref<1x16x512xf32, #tpu.memory_space<vmem>> -> memref<16x512xf32, #tpu.memory_space<vmem>>
    %dma_wait3A_312 = arith.constant 0 : i32
    %dma_wait3A_313 = tpu.memref_slice %arg2[%select_n3A, %dma_wait3A_305, %add3A_166, %dma_wait3A_312] : memref<4x3x512x512xf32, #tpu.memory_space<hbm>> -> memref<1x1x16x512xf32, #tpu.memory_space<hbm>>
    %dma_wait3A_314 = tpu.memref_squeeze %dma_wait3A_313 : memref<1x1x16x512xf32, #tpu.memory_space<hbm>> -> memref<16x512xf32, #tpu.memory_space<hbm>>
    %dma_wait3A_315 = tpu.memref_slice %arg10[%dma_wait3A_307] : memref<2x!tpu.dma_semaphore, #tpu.memory_space<semaphore_mem>> -> memref<1x!tpu.dma_semaphore, #tpu.memory_space<semaphore_mem>>
    %dma_wait3A_316 = tpu.memref_squeeze %dma_wait3A_315 : memref<1x!tpu.dma_semaphore, #tpu.memory_space<semaphore_mem>> -> memref<!tpu.dma_semaphore, #tpu.memory_space<semaphore_mem>>
    %dma_wait3A_317 = arith.constant 0 : i32
    %dma_wait3A_318 = arith.constant 0 : i32
    %dma_wait3A_319 = tpu.memref_slice %arg6[%dma_wait3A_306, %dma_wait3A_317, %dma_wait3A_318] : memref<2x16x512xf32, #tpu.memory_space<vmem>> -> memref<1x16x512xf32, #tpu.memory_space<vmem>>
    %dma_wait3A_320 = tpu.memref_squeeze %dma_wait3A_319 : memref<1x16x512xf32, #tpu.memory_space<vmem>> -> memref<16x512xf32, #tpu.memory_space<vmem>>
    %dma_wait3A_321 = arith.constant 0 : i32
    %dma_wait3A_322 = tpu.memref_slice %arg2[%select_n3A, %dma_wait3A_305, %add3A_166, %dma_wait3A_321] : memref<4x3x512x512xf32, #tpu.memory_space<hbm>> -> memref<1x1x16x512xf32, #tpu.memory_space<hbm>>
    %dma_wait3A_323 = tpu.memref_squeeze %dma_wait3A_322 : memref<1x1x16x512xf32, #tpu.memory_space<hbm>> -> memref<16x512xf32, #tpu.memory_space<hbm>>
    tpu.wait_dma2 semaphore(%dma_wait3A_316 : memref<!tpu.dma_semaphore, #tpu.memory_space<semaphore_mem>>) src(%dma_wait3A_323 : memref<16x512xf32, #tpu.memory_space<hbm>>) dst(%dma_wait3A_320 : memref<16x512xf32, #tpu.memory_space<vmem>>)
    %dma_wait3A_324 = arith.constant 1 : i32
    %dma_wait3A_325 = arith.constant 1 : i32
    %dma_wait3A_326 = arith.constant 0 : i32
    %dma_wait3A_327 = arith.constant 0 : i32
    %dma_wait3A_328 = tpu.memref_slice %arg7[%dma_wait3A_324, %dma_wait3A_326, %dma_wait3A_327] : memref<2x16x512xi32, #tpu.memory_space<vmem>> -> memref<1x16x512xi32, #tpu.memory_space<vmem>>
    %dma_wait3A_329 = tpu.memref_squeeze %dma_wait3A_328 : memref<1x16x512xi32, #tpu.memory_space<vmem>> -> memref<16x512xi32, #tpu.memory_space<vmem>>
    %dma_wait3A_330 = arith.constant 0 : i32
    %dma_wait3A_331 = tpu.memref_slice %arg3[%select_n3A, %add3A_166, %dma_wait3A_330] : memref<4x512x512xi32, #tpu.memory_space<hbm>> -> memref<1x16x512xi32, #tpu.memory_space<hbm>>
    %dma_wait3A_332 = tpu.memref_squeeze %dma_wait3A_331 : memref<1x16x512xi32, #tpu.memory_space<hbm>> -> memref<16x512xi32, #tpu.memory_space<hbm>>
    %dma_wait3A_333 = tpu.memref_slice %arg11[%dma_wait3A_325] : memref<2x!tpu.dma_semaphore, #tpu.memory_space<semaphore_mem>> -> memref<1x!tpu.dma_semaphore, #tpu.memory_space<semaphore_mem>>
    %dma_wait3A_334 = tpu.memref_squeeze %dma_wait3A_333 : memref<1x!tpu.dma_semaphore, #tpu.memory_space<semaphore_mem>> -> memref<!tpu.dma_semaphore, #tpu.memory_space<semaphore_mem>>
    %dma_wait3A_335 = arith.constant 0 : i32
    %dma_wait3A_336 = arith.constant 0 : i32
    %dma_wait3A_337 = tpu.memref_slice %arg7[%dma_wait3A_324, %dma_wait3A_335, %dma_wait3A_336] : memref<2x16x512xi32, #tpu.memory_space<vmem>> -> memref<1x16x512xi32, #tpu.memory_space<vmem>>
    %dma_wait3A_338 = tpu.memref_squeeze %dma_wait3A_337 : memref<1x16x512xi32, #tpu.memory_space<vmem>> -> memref<16x512xi32, #tpu.memory_space<vmem>>
    %dma_wait3A_339 = arith.constant 0 : i32
    %dma_wait3A_340 = tpu.memref_slice %arg3[%select_n3A, %add3A_166, %dma_wait3A_339] : memref<4x512x512xi32, #tpu.memory_space<hbm>> -> memref<1x16x512xi32, #tpu.memory_space<hbm>>
    %dma_wait3A_341 = tpu.memref_squeeze %dma_wait3A_340 : memref<1x16x512xi32, #tpu.memory_space<hbm>> -> memref<16x512xi32, #tpu.memory_space<hbm>>
    tpu.wait_dma2 semaphore(%dma_wait3A_334 : memref<!tpu.dma_semaphore, #tpu.memory_space<semaphore_mem>>) src(%dma_wait3A_341 : memref<16x512xi32, #tpu.memory_space<hbm>>) dst(%dma_wait3A_338 : memref<16x512xi32, #tpu.memory_space<vmem>>)
    %parallel_loop3A_342 = arith.constant 0 : i32
    %parallel_loop3A_343 = arith.constant 512 : i32
    %parallel_loop3A_344 = arith.constant 1 : i32
    scf.for %parallel_loop3A_624 = %parallel_loop3A_342 to %parallel_loop3A_343 step %parallel_loop3A_344  : i32 {
      %parallel_loop3A_625 = arith.constant 32 : i32
      %parallel_loop3A_626 = arith.divsi %parallel_loop3A_624, %parallel_loop3A_625 : i32
      %parallel_loop3A_627 = arith.constant 0 : i32
      %parallel_loop3A_628 = arith.cmpi sgt, %parallel_loop3A_624, %parallel_loop3A_627 : i32
      %parallel_loop3A_629 = arith.extui %parallel_loop3A_628 : i1 to i32
      %parallel_loop3A_630 = arith.constant 0 : i32
      %parallel_loop3A_631 = arith.cmpi slt, %parallel_loop3A_624, %parallel_loop3A_630 : i32
      %parallel_loop3A_632 = arith.extui %parallel_loop3A_631 : i1 to i32
      %parallel_loop3A_633 = arith.subi %parallel_loop3A_629, %parallel_loop3A_632 : i32
      %parallel_loop3A_634 = arith.constant 0 : i32
      %parallel_loop3A_635 = arith.cmpi sgt, %parallel_loop3A_625, %parallel_loop3A_634 : i32
      %parallel_loop3A_636 = arith.extui %parallel_loop3A_635 : i1 to i32
      %parallel_loop3A_637 = arith.constant 0 : i32
      %parallel_loop3A_638 = arith.cmpi slt, %parallel_loop3A_625, %parallel_loop3A_637 : i32
      %parallel_loop3A_639 = arith.extui %parallel_loop3A_638 : i1 to i32
      %parallel_loop3A_640 = arith.subi %parallel_loop3A_636, %parallel_loop3A_639 : i32
      %parallel_loop3A_641 = arith.cmpi ne, %parallel_loop3A_633, %parallel_loop3A_640 : i32
      %parallel_loop3A_642 = arith.remsi %parallel_loop3A_624, %parallel_loop3A_625 : i32
      %parallel_loop3A_643 = arith.constant 0 : i32
      %parallel_loop3A_644 = arith.cmpi ne, %parallel_loop3A_642, %parallel_loop3A_643 : i32
      %parallel_loop3A_645 = arith.andi %parallel_loop3A_641, %parallel_loop3A_644 : i1
      %parallel_loop3A_646 = arith.constant 1 : i32
      %parallel_loop3A_647 = arith.subi %parallel_loop3A_626, %parallel_loop3A_646 : i32
      %parallel_loop3A_648 = arith.select %parallel_loop3A_645, %parallel_loop3A_647, %parallel_loop3A_626 : i32
      %parallel_loop3A_649 = arith.constant 32 : i32
      %parallel_loop3A_650 = arith.constant 0 : i32
      %parallel_loop3A_651 = arith.cmpi eq, %parallel_loop3A_649, %parallel_loop3A_650 : i32
      %parallel_loop3A_652 = arith.constant 1 : i32
      %parallel_loop3A_653 = arith.select %parallel_loop3A_651, %parallel_loop3A_652, %parallel_loop3A_649 : i32
      %parallel_loop3A_654 = arith.remsi %parallel_loop3A_624, %parallel_loop3A_653 : i32
      %parallel_loop3A_655 = arith.constant 0 : i32
      %parallel_loop3A_656 = arith.cmpi ne, %parallel_loop3A_654, %parallel_loop3A_655 : i32
      %parallel_loop3A_657 = arith.constant 0 : i32
      %parallel_loop3A_658 = arith.cmpi slt, %parallel_loop3A_654, %parallel_loop3A_657 : i32
      %parallel_loop3A_659 = arith.constant 0 : i32
      %parallel_loop3A_660 = arith.cmpi slt, %parallel_loop3A_653, %parallel_loop3A_659 : i32
      %parallel_loop3A_661 = arith.xori %parallel_loop3A_658, %parallel_loop3A_660 : i1
      %parallel_loop3A_662 = arith.andi %parallel_loop3A_661, %parallel_loop3A_656 : i1
      %parallel_loop3A_663 = arith.addi %parallel_loop3A_654, %parallel_loop3A_653 : i32
      %parallel_loop3A_664 = arith.select %parallel_loop3A_662, %parallel_loop3A_663, %parallel_loop3A_654 : i32
      %parallel_loop3A_665 = arith.constant 16 : i32
      %parallel_loop3A_666 = arith.muli %parallel_loop3A_664, %parallel_loop3A_665 : i32
      %parallel_loop3A_667 = arith.constant 1 : i32
      %parallel_loop3A_668 = arith.index_cast %parallel_loop3A_667 : i32 to index
      %parallel_loop3A_669 = arith.index_cast %parallel_loop3A_648 : i32 to index
      %parallel_loop3A_670 = arith.index_cast %parallel_loop3A_666 : i32 to index
      %parallel_loop3A_671 = tpu.vector_load %arg6[%parallel_loop3A_668, %parallel_loop3A_669, %parallel_loop3A_670] {strides = array<i32>} : memref<2x16x512xf32, #tpu.memory_space<vmem>>, vector<16xf32>,
      %parallel_loop3A_672 = arith.constant 1 : i32
      %parallel_loop3A_673 = arith.index_cast %parallel_loop3A_672 : i32 to index
      %parallel_loop3A_674 = arith.index_cast %parallel_loop3A_648 : i32 to index
      %parallel_loop3A_675 = arith.index_cast %parallel_loop3A_666 : i32 to index
      %parallel_loop3A_676 = tpu.vector_load %arg7[%parallel_loop3A_673, %parallel_loop3A_674, %parallel_loop3A_675] {strides = array<i32>} : memref<2x16x512xi32, #tpu.memory_space<vmem>>, vector<16xi32>,
      %parallel_loop3A_677 = arith.constant -1.000000e+00 : f32
      %parallel_loop3A_678 = vector.broadcast %parallel_loop3A_677 : f32 to vector<16xf32>
      %parallel_loop3A_679 = arith.cmpf ogt, %parallel_loop3A_671, %parallel_loop3A_678 : vector<16xf32>
      %parallel_loop3A_680 = arith.constant 1 : i32
      %parallel_loop3A_681 = vector.broadcast %parallel_loop3A_680 : i32 to vector<16xi32>
      %parallel_loop3A_682 = arith.cmpi eq, %parallel_loop3A_676, %parallel_loop3A_681 : vector<16xi32>
      %parallel_loop3A_683 = arith.select %parallel_loop3A_679, %div3A_44, %div3A_92 : vector<16xi1>, vector<16xf32>
      %parallel_loop3A_684 = arith.select %parallel_loop3A_682, %parallel_loop3A_683, %broadcast_in_dim3A_126 : vector<16xi1>, vector<16xf32>
      %parallel_loop3A_685 = arith.constant 1 : i32
      %parallel_loop3A_686 = arith.constant 0 : i32
      %parallel_loop3A_687 = arith.index_cast %parallel_loop3A_685 : i32 to index
      %parallel_loop3A_688 = arith.index_cast %parallel_loop3A_686 : i32 to index
      %parallel_loop3A_689 = arith.index_cast %parallel_loop3A_648 : i32 to index
      %parallel_loop3A_690 = arith.index_cast %parallel_loop3A_666 : i32 to index
      %parallel_loop3A_691 = tpu.vector_load %arg8[%parallel_loop3A_687, %parallel_loop3A_688, %parallel_loop3A_689, %parallel_loop3A_690] {strides = array<i32>} : memref<2x3x16x512xf32, #tpu.memory_space<vmem>>, vector<16xf32>,
      tpu.vector_store %arg8[%parallel_loop3A_687, %parallel_loop3A_688, %parallel_loop3A_689, %parallel_loop3A_690], %parallel_loop3A_684 {strides = array<i32>} : memref<2x3x16x512xf32, #tpu.memory_space<vmem>>, vector<16xf32>,
      %parallel_loop3A_692 = arith.select %parallel_loop3A_679, %div3A_60, %div3A_108 : vector<16xi1>, vector<16xf32>
      %parallel_loop3A_693 = arith.select %parallel_loop3A_682, %parallel_loop3A_692, %broadcast_in_dim3A_126 : vector<16xi1>, vector<16xf32>
      %parallel_loop3A_694 = arith.constant 1 : i32
      %parallel_loop3A_695 = arith.constant 1 : i32
      %parallel_loop3A_696 = arith.index_cast %parallel_loop3A_694 : i32 to index
      %parallel_loop3A_697 = arith.index_cast %parallel_loop3A_695 : i32 to index
      %parallel_loop3A_698 = arith.index_cast %parallel_loop3A_648 : i32 to index
      %parallel_loop3A_699 = arith.index_cast %parallel_loop3A_666 : i32 to index
      %parallel_loop3A_700 = tpu.vector_load %arg8[%parallel_loop3A_696, %parallel_loop3A_697, %parallel_loop3A_698, %parallel_loop3A_699] {strides = array<i32>} : memref<2x3x16x512xf32, #tpu.memory_space<vmem>>, vector<16xf32>,
      tpu.vector_store %arg8[%parallel_loop3A_696, %parallel_loop3A_697, %parallel_loop3A_698, %parallel_loop3A_699], %parallel_loop3A_693 {strides = array<i32>} : memref<2x3x16x512xf32, #tpu.memory_space<vmem>>, vector<16xf32>,
      %parallel_loop3A_701 = arith.select %parallel_loop3A_679, %div3A_76, %div3A_124 : vector<16xi1>, vector<16xf32>
      %parallel_loop3A_702 = arith.select %parallel_loop3A_682, %parallel_loop3A_701, %broadcast_in_dim3A_126 : vector<16xi1>, vector<16xf32>
      %parallel_loop3A_703 = arith.constant 1 : i32
      %parallel_loop3A_704 = arith.constant 2 : i32
      %parallel_loop3A_705 = arith.index_cast %parallel_loop3A_703 : i32 to index
      %parallel_loop3A_706 = arith.index_cast %parallel_loop3A_704 : i32 to index
      %parallel_loop3A_707 = arith.index_cast %parallel_loop3A_648 : i32 to index
      %parallel_loop3A_708 = arith.index_cast %parallel_loop3A_666 : i32 to index
      %parallel_loop3A_709 = tpu.vector_load %arg8[%parallel_loop3A_705, %parallel_loop3A_706, %parallel_loop3A_707, %parallel_loop3A_708] {strides = array<i32>} : memref<2x3x16x512xf32, #tpu.memory_space<vmem>>, vector<16xf32>,
      tpu.vector_store %arg8[%parallel_loop3A_705, %parallel_loop3A_706, %parallel_loop3A_707, %parallel_loop3A_708], %parallel_loop3A_702 {strides = array<i32>} : memref<2x3x16x512xf32, #tpu.memory_space<vmem>>, vector<16xf32>,
    } {sc.loop_unroll_factor = 8 : i64, sc.parallel_access}
    %add3A_345 = arith.constant 16 : i32
    %add3A_346 = arith.addi %mul3A_32, %add3A_345 : i32
    %dma_start3A_347 = arith.constant 1 : i32
    %dma_start3A_348 = arith.constant 1 : i32
    %dma_start3A_349 = arith.constant 0 : i32
    %dma_start3A_350 = arith.constant 0 : i32
    %dma_start3A_351 = arith.constant 0 : i32
    %dma_start3A_352 = tpu.memref_slice %arg8[%dma_start3A_347, %dma_start3A_349, %dma_start3A_350, %dma_start3A_351] : memref<2x3x16x512xf32, #tpu.memory_space<vmem>> -> memref<1x3x16x512xf32, #tpu.memory_space<vmem>>
    %dma_start3A_353 = tpu.memref_squeeze %dma_start3A_352 : memref<1x3x16x512xf32, #tpu.memory_space<vmem>> -> memref<3x16x512xf32, #tpu.memory_space<vmem>>
    %dma_start3A_354 = arith.constant 0 : i32
    %dma_start3A_355 = arith.constant 0 : i32
    %dma_start3A_356 = tpu.memref_slice %arg5[%select_n3A, %dma_start3A_354, %add3A_346, %dma_start3A_355] : memref<4x3x512x512xf32, #tpu.memory_space<hbm>> -> memref<1x3x16x512xf32, #tpu.memory_space<hbm>>
    %dma_start3A_357 = tpu.memref_squeeze %dma_start3A_356 : memref<1x3x16x512xf32, #tpu.memory_space<hbm>> -> memref<3x16x512xf32, #tpu.memory_space<hbm>>
    %dma_start3A_358 = tpu.memref_slice %arg12[%dma_start3A_348] : memref<2x!tpu.dma_semaphore, #tpu.memory_space<semaphore_mem>> -> memref<1x!tpu.dma_semaphore, #tpu.memory_space<semaphore_mem>>
    %dma_start3A_359 = tpu.memref_squeeze %dma_start3A_358 : memref<1x!tpu.dma_semaphore, #tpu.memory_space<semaphore_mem>> -> memref<!tpu.dma_semaphore, #tpu.memory_space<semaphore_mem>>
    %dma_start3A_360 = arith.constant 0 : i32
    %dma_start3A_361 = arith.constant 0 : i32
    %dma_start3A_362 = tpu.memref_slice %arg5[%select_n3A, %dma_start3A_360, %add3A_346, %dma_start3A_361] : memref<4x3x512x512xf32, #tpu.memory_space<hbm>> -> memref<1x3x16x512xf32, #tpu.memory_space<hbm>>
    %dma_start3A_363 = tpu.memref_squeeze %dma_start3A_362 : memref<1x3x16x512xf32, #tpu.memory_space<hbm>> -> memref<3x16x512xf32, #tpu.memory_space<hbm>>
    %dma_start3A_364 = arith.constant 0 : i32
    %dma_start3A_365 = arith.constant 0 : i32
    %dma_start3A_366 = arith.constant 0 : i32
    %dma_start3A_367 = tpu.memref_slice %arg8[%dma_start3A_347, %dma_start3A_364, %dma_start3A_365, %dma_start3A_366] : memref<2x3x16x512xf32, #tpu.memory_space<vmem>> -> memref<1x3x16x512xf32, #tpu.memory_space<vmem>>
    %dma_start3A_368 = tpu.memref_squeeze %dma_start3A_367 : memref<1x3x16x512xf32, #tpu.memory_space<vmem>> -> memref<3x16x512xf32, #tpu.memory_space<vmem>>
    tpu.enqueue_dma source(%dma_start3A_368 : memref<3x16x512xf32, #tpu.memory_space<vmem>>) target(%dma_start3A_363 : memref<3x16x512xf32, #tpu.memory_space<hbm>>) target_semaphore(%dma_start3A_359 : memref<!tpu.dma_semaphore, #tpu.memory_space<semaphore_mem>>)
    %add3A_369 = arith.constant 48 : i32
    %add3A_370 = arith.addi %mul3A_32, %add3A_369 : i32
    %dma_start3A_371 = arith.constant 2 : i32
    %dma_start3A_372 = arith.constant 1 : i32
    %dma_start3A_373 = arith.constant 1 : i32
    %dma_start3A_374 = arith.constant 0 : i32
    %dma_start3A_375 = arith.constant 0 : i32
    %dma_start3A_376 = tpu.memref_slice %arg6[%dma_start3A_372, %dma_start3A_374, %dma_start3A_375] : memref<2x16x512xf32, #tpu.memory_space<vmem>> -> memref<1x16x512xf32, #tpu.memory_space<vmem>>
    %dma_start3A_377 = tpu.memref_squeeze %dma_start3A_376 : memref<1x16x512xf32, #tpu.memory_space<vmem>> -> memref<16x512xf32, #tpu.memory_space<vmem>>
    %dma_start3A_378 = arith.constant 0 : i32
    %dma_start3A_379 = tpu.memref_slice %arg2[%select_n3A, %dma_start3A_371, %add3A_370, %dma_start3A_378] : memref<4x3x512x512xf32, #tpu.memory_space<hbm>> -> memref<1x1x16x512xf32, #tpu.memory_space<hbm>>
    %dma_start3A_380 = tpu.memref_squeeze %dma_start3A_379 : memref<1x1x16x512xf32, #tpu.memory_space<hbm>> -> memref<16x512xf32, #tpu.memory_space<hbm>>
    %dma_start3A_381 = tpu.memref_slice %arg10[%dma_start3A_373] : memref<2x!tpu.dma_semaphore, #tpu.memory_space<semaphore_mem>> -> memref<1x!tpu.dma_semaphore, #tpu.memory_space<semaphore_mem>>
    %dma_start3A_382 = tpu.memref_squeeze %dma_start3A_381 : memref<1x!tpu.dma_semaphore, #tpu.memory_space<semaphore_mem>> -> memref<!tpu.dma_semaphore, #tpu.memory_space<semaphore_mem>>
    %dma_start3A_383 = arith.constant 0 : i32
    %dma_start3A_384 = arith.constant 0 : i32
    %dma_start3A_385 = tpu.memref_slice %arg6[%dma_start3A_372, %dma_start3A_383, %dma_start3A_384] : memref<2x16x512xf32, #tpu.memory_space<vmem>> -> memref<1x16x512xf32, #tpu.memory_space<vmem>>
    %dma_start3A_386 = tpu.memref_squeeze %dma_start3A_385 : memref<1x16x512xf32, #tpu.memory_space<vmem>> -> memref<16x512xf32, #tpu.memory_space<vmem>>
    %dma_start3A_387 = arith.constant 0 : i32
    %dma_start3A_388 = tpu.memref_slice %arg2[%select_n3A, %dma_start3A_371, %add3A_370, %dma_start3A_387] : memref<4x3x512x512xf32, #tpu.memory_space<hbm>> -> memref<1x1x16x512xf32, #tpu.memory_space<hbm>>
    %dma_start3A_389 = tpu.memref_squeeze %dma_start3A_388 : memref<1x1x16x512xf32, #tpu.memory_space<hbm>> -> memref<16x512xf32, #tpu.memory_space<hbm>>
    tpu.enqueue_dma source(%dma_start3A_389 : memref<16x512xf32, #tpu.memory_space<hbm>>) target(%dma_start3A_386 : memref<16x512xf32, #tpu.memory_space<vmem>>) target_semaphore(%dma_start3A_382 : memref<!tpu.dma_semaphore, #tpu.memory_space<semaphore_mem>>)
    %dma_start3A_390 = arith.constant 1 : i32
    %dma_start3A_391 = arith.constant 1 : i32
    %dma_start3A_392 = arith.constant 0 : i32
    %dma_start3A_393 = arith.constant 0 : i32
    %dma_start3A_394 = tpu.memref_slice %arg7[%dma_start3A_390, %dma_start3A_392, %dma_start3A_393] : memref<2x16x512xi32, #tpu.memory_space<vmem>> -> memref<1x16x512xi32, #tpu.memory_space<vmem>>
    %dma_start3A_395 = tpu.memref_squeeze %dma_start3A_394 : memref<1x16x512xi32, #tpu.memory_space<vmem>> -> memref<16x512xi32, #tpu.memory_space<vmem>>
    %dma_start3A_396 = arith.constant 0 : i32
    %dma_start3A_397 = tpu.memref_slice %arg3[%select_n3A, %add3A_370, %dma_start3A_396] : memref<4x512x512xi32, #tpu.memory_space<hbm>> -> memref<1x16x512xi32, #tpu.memory_space<hbm>>
    %dma_start3A_398 = tpu.memref_squeeze %dma_start3A_397 : memref<1x16x512xi32, #tpu.memory_space<hbm>> -> memref<16x512xi32, #tpu.memory_space<hbm>>
    %dma_start3A_399 = tpu.memref_slice %arg11[%dma_start3A_391] : memref<2x!tpu.dma_semaphore, #tpu.memory_space<semaphore_mem>> -> memref<1x!tpu.dma_semaphore, #tpu.memory_space<semaphore_mem>>
    %dma_start3A_400 = tpu.memref_squeeze %dma_start3A_399 : memref<1x!tpu.dma_semaphore, #tpu.memory_space<semaphore_mem>> -> memref<!tpu.dma_semaphore, #tpu.memory_space<semaphore_mem>>
    %dma_start3A_401 = arith.constant 0 : i32
    %dma_start3A_402 = arith.constant 0 : i32
    %dma_start3A_403 = tpu.memref_slice %arg7[%dma_start3A_390, %dma_start3A_401, %dma_start3A_402] : memref<2x16x512xi32, #tpu.memory_space<vmem>> -> memref<1x16x512xi32, #tpu.memory_space<vmem>>
    %dma_start3A_404 = tpu.memref_squeeze %dma_start3A_403 : memref<1x16x512xi32, #tpu.memory_space<vmem>> -> memref<16x512xi32, #tpu.memory_space<vmem>>
    %dma_start3A_405 = arith.constant 0 : i32
    %dma_start3A_406 = tpu.memref_slice %arg3[%select_n3A, %add3A_370, %dma_start3A_405] : memref<4x512x512xi32, #tpu.memory_space<hbm>> -> memref<1x16x512xi32, #tpu.memory_space<hbm>>
    %dma_start3A_407 = tpu.memref_squeeze %dma_start3A_406 : memref<1x16x512xi32, #tpu.memory_space<hbm>> -> memref<16x512xi32, #tpu.memory_space<hbm>>
    tpu.enqueue_dma source(%dma_start3A_407 : memref<16x512xi32, #tpu.memory_space<hbm>>) target(%dma_start3A_404 : memref<16x512xi32, #tpu.memory_space<vmem>>) target_semaphore(%dma_start3A_400 : memref<!tpu.dma_semaphore, #tpu.memory_space<semaphore_mem>>)
    %dma_wait3A_408 = arith.constant 2 : i32
    %dma_wait3A_409 = arith.constant 0 : i32
    %dma_wait3A_410 = arith.constant 0 : i32
    %dma_wait3A_411 = arith.constant 0 : i32
    %dma_wait3A_412 = arith.constant 0 : i32
    %dma_wait3A_413 = tpu.memref_slice %arg6[%dma_wait3A_409, %dma_wait3A_411, %dma_wait3A_412] : memref<2x16x512xf32, #tpu.memory_space<vmem>> -> memref<1x16x512xf32, #tpu.memory_space<vmem>>
    %dma_wait3A_414 = tpu.memref_squeeze %dma_wait3A_413 : memref<1x16x512xf32, #tpu.memory_space<vmem>> -> memref<16x512xf32, #tpu.memory_space<vmem>>
    %dma_wait3A_415 = arith.constant 0 : i32
    %dma_wait3A_416 = tpu.memref_slice %arg2[%select_n3A, %dma_wait3A_408, %add3A_267, %dma_wait3A_415] : memref<4x3x512x512xf32, #tpu.memory_space<hbm>> -> memref<1x1x16x512xf32, #tpu.memory_space<hbm>>
    %dma_wait3A_417 = tpu.memref_squeeze %dma_wait3A_416 : memref<1x1x16x512xf32, #tpu.memory_space<hbm>> -> memref<16x512xf32, #tpu.memory_space<hbm>>
    %dma_wait3A_418 = tpu.memref_slice %arg10[%dma_wait3A_410] : memref<2x!tpu.dma_semaphore, #tpu.memory_space<semaphore_mem>> -> memref<1x!tpu.dma_semaphore, #tpu.memory_space<semaphore_mem>>
    %dma_wait3A_419 = tpu.memref_squeeze %dma_wait3A_418 : memref<1x!tpu.dma_semaphore, #tpu.memory_space<semaphore_mem>> -> memref<!tpu.dma_semaphore, #tpu.memory_space<semaphore_mem>>
    %dma_wait3A_420 = arith.constant 0 : i32
    %dma_wait3A_421 = arith.constant 0 : i32
    %dma_wait3A_422 = tpu.memref_slice %arg6[%dma_wait3A_409, %dma_wait3A_420, %dma_wait3A_421] : memref<2x16x512xf32, #tpu.memory_space<vmem>> -> memref<1x16x512xf32, #tpu.memory_space<vmem>>
    %dma_wait3A_423 = tpu.memref_squeeze %dma_wait3A_422 : memref<1x16x512xf32, #tpu.memory_space<vmem>> -> memref<16x512xf32, #tpu.memory_space<vmem>>
    %dma_wait3A_424 = arith.constant 0 : i32
    %dma_wait3A_425 = tpu.memref_slice %arg2[%select_n3A, %dma_wait3A_408, %add3A_267, %dma_wait3A_424] : memref<4x3x512x512xf32, #tpu.memory_space<hbm>> -> memref<1x1x16x512xf32, #tpu.memory_space<hbm>>
    %dma_wait3A_426 = tpu.memref_squeeze %dma_wait3A_425 : memref<1x1x16x512xf32, #tpu.memory_space<hbm>> -> memref<16x512xf32, #tpu.memory_space<hbm>>
    tpu.wait_dma2 semaphore(%dma_wait3A_419 : memref<!tpu.dma_semaphore, #tpu.memory_space<semaphore_mem>>) src(%dma_wait3A_426 : memref<16x512xf32, #tpu.memory_space<hbm>>) dst(%dma_wait3A_423 : memref<16x512xf32, #tpu.memory_space<vmem>>)
    %dma_wait3A_427 = arith.constant 0 : i32
    %dma_wait3A_428 = arith.constant 0 : i32
    %dma_wait3A_429 = arith.constant 0 : i32
    %dma_wait3A_430 = arith.constant 0 : i32
    %dma_wait3A_431 = tpu.memref_slice %arg7[%dma_wait3A_427, %dma_wait3A_429, %dma_wait3A_430] : memref<2x16x512xi32, #tpu.memory_space<vmem>> -> memref<1x16x512xi32, #tpu.memory_space<vmem>>
    %dma_wait3A_432 = tpu.memref_squeeze %dma_wait3A_431 : memref<1x16x512xi32, #tpu.memory_space<vmem>> -> memref<16x512xi32, #tpu.memory_space<vmem>>
    %dma_wait3A_433 = arith.constant 0 : i32
    %dma_wait3A_434 = tpu.memref_slice %arg3[%select_n3A, %add3A_267, %dma_wait3A_433] : memref<4x512x512xi32, #tpu.memory_space<hbm>> -> memref<1x16x512xi32, #tpu.memory_space<hbm>>
    %dma_wait3A_435 = tpu.memref_squeeze %dma_wait3A_434 : memref<1x16x512xi32, #tpu.memory_space<hbm>> -> memref<16x512xi32, #tpu.memory_space<hbm>>
    %dma_wait3A_436 = tpu.memref_slice %arg11[%dma_wait3A_428] : memref<2x!tpu.dma_semaphore, #tpu.memory_space<semaphore_mem>> -> memref<1x!tpu.dma_semaphore, #tpu.memory_space<semaphore_mem>>
    %dma_wait3A_437 = tpu.memref_squeeze %dma_wait3A_436 : memref<1x!tpu.dma_semaphore, #tpu.memory_space<semaphore_mem>> -> memref<!tpu.dma_semaphore, #tpu.memory_space<semaphore_mem>>
    %dma_wait3A_438 = arith.constant 0 : i32
    %dma_wait3A_439 = arith.constant 0 : i32
    %dma_wait3A_440 = tpu.memref_slice %arg7[%dma_wait3A_427, %dma_wait3A_438, %dma_wait3A_439] : memref<2x16x512xi32, #tpu.memory_space<vmem>> -> memref<1x16x512xi32, #tpu.memory_space<vmem>>
    %dma_wait3A_441 = tpu.memref_squeeze %dma_wait3A_440 : memref<1x16x512xi32, #tpu.memory_space<vmem>> -> memref<16x512xi32, #tpu.memory_space<vmem>>
    %dma_wait3A_442 = arith.constant 0 : i32
    %dma_wait3A_443 = tpu.memref_slice %arg3[%select_n3A, %add3A_267, %dma_wait3A_442] : memref<4x512x512xi32, #tpu.memory_space<hbm>> -> memref<1x16x512xi32, #tpu.memory_space<hbm>>
    %dma_wait3A_444 = tpu.memref_squeeze %dma_wait3A_443 : memref<1x16x512xi32, #tpu.memory_space<hbm>> -> memref<16x512xi32, #tpu.memory_space<hbm>>
    tpu.wait_dma2 semaphore(%dma_wait3A_437 : memref<!tpu.dma_semaphore, #tpu.memory_space<semaphore_mem>>) src(%dma_wait3A_444 : memref<16x512xi32, #tpu.memory_space<hbm>>) dst(%dma_wait3A_441 : memref<16x512xi32, #tpu.memory_space<vmem>>)
    %dma_wait3A_445 = arith.constant 0 : i32
    %dma_wait3A_446 = arith.constant 0 : i32
    %dma_wait3A_447 = arith.constant 0 : i32
    %dma_wait3A_448 = arith.constant 0 : i32
    %dma_wait3A_449 = arith.constant 0 : i32
    %dma_wait3A_450 = tpu.memref_slice %arg8[%dma_wait3A_445, %dma_wait3A_447, %dma_wait3A_448, %dma_wait3A_449] : memref<2x3x16x512xf32, #tpu.memory_space<vmem>> -> memref<1x3x16x512xf32, #tpu.memory_space<vmem>>
    %dma_wait3A_451 = tpu.memref_squeeze %dma_wait3A_450 : memref<1x3x16x512xf32, #tpu.memory_space<vmem>> -> memref<3x16x512xf32, #tpu.memory_space<vmem>>
    %dma_wait3A_452 = arith.constant 0 : i32
    %dma_wait3A_453 = arith.constant 0 : i32
    %dma_wait3A_454 = tpu.memref_slice %arg5[%select_n3A, %dma_wait3A_452, %add3A_243, %dma_wait3A_453] : memref<4x3x512x512xf32, #tpu.memory_space<hbm>> -> memref<1x3x16x512xf32, #tpu.memory_space<hbm>>
    %dma_wait3A_455 = tpu.memref_squeeze %dma_wait3A_454 : memref<1x3x16x512xf32, #tpu.memory_space<hbm>> -> memref<3x16x512xf32, #tpu.memory_space<hbm>>
    %dma_wait3A_456 = tpu.memref_slice %arg12[%dma_wait3A_446] : memref<2x!tpu.dma_semaphore, #tpu.memory_space<semaphore_mem>> -> memref<1x!tpu.dma_semaphore, #tpu.memory_space<semaphore_mem>>
    %dma_wait3A_457 = tpu.memref_squeeze %dma_wait3A_456 : memref<1x!tpu.dma_semaphore, #tpu.memory_space<semaphore_mem>> -> memref<!tpu.dma_semaphore, #tpu.memory_space<semaphore_mem>>
    %dma_wait3A_458 = arith.constant 0 : i32
    %dma_wait3A_459 = arith.constant 0 : i32
    %dma_wait3A_460 = tpu.memref_slice %arg5[%select_n3A, %dma_wait3A_458, %add3A_243, %dma_wait3A_459] : memref<4x3x512x512xf32, #tpu.memory_space<hbm>> -> memref<1x3x16x512xf32, #tpu.memory_space<hbm>>
    %dma_wait3A_461 = tpu.memref_squeeze %dma_wait3A_460 : memref<1x3x16x512xf32, #tpu.memory_space<hbm>> -> memref<3x16x512xf32, #tpu.memory_space<hbm>>
    %dma_wait3A_462 = arith.constant 0 : i32
    %dma_wait3A_463 = arith.constant 0 : i32
    %dma_wait3A_464 = arith.constant 0 : i32
    %dma_wait3A_465 = tpu.memref_slice %arg8[%dma_wait3A_445, %dma_wait3A_462, %dma_wait3A_463, %dma_wait3A_464] : memref<2x3x16x512xf32, #tpu.memory_space<vmem>> -> memref<1x3x16x512xf32, #tpu.memory_space<vmem>>
    %dma_wait3A_466 = tpu.memref_squeeze %dma_wait3A_465 : memref<1x3x16x512xf32, #tpu.memory_space<vmem>> -> memref<3x16x512xf32, #tpu.memory_space<vmem>>
    tpu.wait_dma2 semaphore(%dma_wait3A_457 : memref<!tpu.dma_semaphore, #tpu.memory_space<semaphore_mem>>) src(%dma_wait3A_466 : memref<3x16x512xf32, #tpu.memory_space<vmem>>) dst(%dma_wait3A_461 : memref<3x16x512xf32, #tpu.memory_space<hbm>>)
    %parallel_loop3A_467 = arith.constant 0 : i32
    %parallel_loop3A_468 = arith.constant 512 : i32
    %parallel_loop3A_469 = arith.constant 1 : i32
    scf.for %parallel_loop3A_624 = %parallel_loop3A_467 to %parallel_loop3A_468 step %parallel_loop3A_469  : i32 {
      %parallel_loop3A_625 = arith.constant 32 : i32
      %parallel_loop3A_626 = arith.divsi %parallel_loop3A_624, %parallel_loop3A_625 : i32
      %parallel_loop3A_627 = arith.constant 0 : i32
      %parallel_loop3A_628 = arith.cmpi sgt, %parallel_loop3A_624, %parallel_loop3A_627 : i32
      %parallel_loop3A_629 = arith.extui %parallel_loop3A_628 : i1 to i32
      %parallel_loop3A_630 = arith.constant 0 : i32
      %parallel_loop3A_631 = arith.cmpi slt, %parallel_loop3A_624, %parallel_loop3A_630 : i32
      %parallel_loop3A_632 = arith.extui %parallel_loop3A_631 : i1 to i32
      %parallel_loop3A_633 = arith.subi %parallel_loop3A_629, %parallel_loop3A_632 : i32
      %parallel_loop3A_634 = arith.constant 0 : i32
      %parallel_loop3A_635 = arith.cmpi sgt, %parallel_loop3A_625, %parallel_loop3A_634 : i32
      %parallel_loop3A_636 = arith.extui %parallel_loop3A_635 : i1 to i32
      %parallel_loop3A_637 = arith.constant 0 : i32
      %parallel_loop3A_638 = arith.cmpi slt, %parallel_loop3A_625, %parallel_loop3A_637 : i32
      %parallel_loop3A_639 = arith.extui %parallel_loop3A_638 : i1 to i32
      %parallel_loop3A_640 = arith.subi %parallel_loop3A_636, %parallel_loop3A_639 : i32
      %parallel_loop3A_641 = arith.cmpi ne, %parallel_loop3A_633, %parallel_loop3A_640 : i32
      %parallel_loop3A_642 = arith.remsi %parallel_loop3A_624, %parallel_loop3A_625 : i32
      %parallel_loop3A_643 = arith.constant 0 : i32
      %parallel_loop3A_644 = arith.cmpi ne, %parallel_loop3A_642, %parallel_loop3A_643 : i32
      %parallel_loop3A_645 = arith.andi %parallel_loop3A_641, %parallel_loop3A_644 : i1
      %parallel_loop3A_646 = arith.constant 1 : i32
      %parallel_loop3A_647 = arith.subi %parallel_loop3A_626, %parallel_loop3A_646 : i32
      %parallel_loop3A_648 = arith.select %parallel_loop3A_645, %parallel_loop3A_647, %parallel_loop3A_626 : i32
      %parallel_loop3A_649 = arith.constant 32 : i32
      %parallel_loop3A_650 = arith.constant 0 : i32
      %parallel_loop3A_651 = arith.cmpi eq, %parallel_loop3A_649, %parallel_loop3A_650 : i32
      %parallel_loop3A_652 = arith.constant 1 : i32
      %parallel_loop3A_653 = arith.select %parallel_loop3A_651, %parallel_loop3A_652, %parallel_loop3A_649 : i32
      %parallel_loop3A_654 = arith.remsi %parallel_loop3A_624, %parallel_loop3A_653 : i32
      %parallel_loop3A_655 = arith.constant 0 : i32
      %parallel_loop3A_656 = arith.cmpi ne, %parallel_loop3A_654, %parallel_loop3A_655 : i32
      %parallel_loop3A_657 = arith.constant 0 : i32
      %parallel_loop3A_658 = arith.cmpi slt, %parallel_loop3A_654, %parallel_loop3A_657 : i32
      %parallel_loop3A_659 = arith.constant 0 : i32
      %parallel_loop3A_660 = arith.cmpi slt, %parallel_loop3A_653, %parallel_loop3A_659 : i32
      %parallel_loop3A_661 = arith.xori %parallel_loop3A_658, %parallel_loop3A_660 : i1
      %parallel_loop3A_662 = arith.andi %parallel_loop3A_661, %parallel_loop3A_656 : i1
      %parallel_loop3A_663 = arith.addi %parallel_loop3A_654, %parallel_loop3A_653 : i32
      %parallel_loop3A_664 = arith.select %parallel_loop3A_662, %parallel_loop3A_663, %parallel_loop3A_654 : i32
      %parallel_loop3A_665 = arith.constant 16 : i32
      %parallel_loop3A_666 = arith.muli %parallel_loop3A_664, %parallel_loop3A_665 : i32
      %parallel_loop3A_667 = arith.constant 0 : i32
      %parallel_loop3A_668 = arith.index_cast %parallel_loop3A_667 : i32 to index
      %parallel_loop3A_669 = arith.index_cast %parallel_loop3A_648 : i32 to index
      %parallel_loop3A_670 = arith.index_cast %parallel_loop3A_666 : i32 to index
      %parallel_loop3A_671 = tpu.vector_load %arg6[%parallel_loop3A_668, %parallel_loop3A_669, %parallel_loop3A_670] {strides = array<i32>} : memref<2x16x512xf32, #tpu.memory_space<vmem>>, vector<16xf32>,
      %parallel_loop3A_672 = arith.constant 0 : i32
      %parallel_loop3A_673 = arith.index_cast %parallel_loop3A_672 : i32 to index
      %parallel_loop3A_674 = arith.index_cast %parallel_loop3A_648 : i32 to index
      %parallel_loop3A_675 = arith.index_cast %parallel_loop3A_666 : i32 to index
      %parallel_loop3A_676 = tpu.vector_load %arg7[%parallel_loop3A_673, %parallel_loop3A_674, %parallel_loop3A_675] {strides = array<i32>} : memref<2x16x512xi32, #tpu.memory_space<vmem>>, vector<16xi32>,
      %parallel_loop3A_677 = arith.constant -1.000000e+00 : f32
      %parallel_loop3A_678 = vector.broadcast %parallel_loop3A_677 : f32 to vector<16xf32>
      %parallel_loop3A_679 = arith.cmpf ogt, %parallel_loop3A_671, %parallel_loop3A_678 : vector<16xf32>
      %parallel_loop3A_680 = arith.constant 1 : i32
      %parallel_loop3A_681 = vector.broadcast %parallel_loop3A_680 : i32 to vector<16xi32>
      %parallel_loop3A_682 = arith.cmpi eq, %parallel_loop3A_676, %parallel_loop3A_681 : vector<16xi32>
      %parallel_loop3A_683 = arith.select %parallel_loop3A_679, %div3A_44, %div3A_92 : vector<16xi1>, vector<16xf32>
      %parallel_loop3A_684 = arith.select %parallel_loop3A_682, %parallel_loop3A_683, %broadcast_in_dim3A_126 : vector<16xi1>, vector<16xf32>
      %parallel_loop3A_685 = arith.constant 0 : i32
      %parallel_loop3A_686 = arith.constant 0 : i32
      %parallel_loop3A_687 = arith.index_cast %parallel_loop3A_685 : i32 to index
      %parallel_loop3A_688 = arith.index_cast %parallel_loop3A_686 : i32 to index
      %parallel_loop3A_689 = arith.index_cast %parallel_loop3A_648 : i32 to index
      %parallel_loop3A_690 = arith.index_cast %parallel_loop3A_666 : i32 to index
      %parallel_loop3A_691 = tpu.vector_load %arg8[%parallel_loop3A_687, %parallel_loop3A_688, %parallel_loop3A_689, %parallel_loop3A_690] {strides = array<i32>} : memref<2x3x16x512xf32, #tpu.memory_space<vmem>>, vector<16xf32>,
      tpu.vector_store %arg8[%parallel_loop3A_687, %parallel_loop3A_688, %parallel_loop3A_689, %parallel_loop3A_690], %parallel_loop3A_684 {strides = array<i32>} : memref<2x3x16x512xf32, #tpu.memory_space<vmem>>, vector<16xf32>,
      %parallel_loop3A_692 = arith.select %parallel_loop3A_679, %div3A_60, %div3A_108 : vector<16xi1>, vector<16xf32>
      %parallel_loop3A_693 = arith.select %parallel_loop3A_682, %parallel_loop3A_692, %broadcast_in_dim3A_126 : vector<16xi1>, vector<16xf32>
      %parallel_loop3A_694 = arith.constant 0 : i32
      %parallel_loop3A_695 = arith.constant 1 : i32
      %parallel_loop3A_696 = arith.index_cast %parallel_loop3A_694 : i32 to index
      %parallel_loop3A_697 = arith.index_cast %parallel_loop3A_695 : i32 to index
      %parallel_loop3A_698 = arith.index_cast %parallel_loop3A_648 : i32 to index
      %parallel_loop3A_699 = arith.index_cast %parallel_loop3A_666 : i32 to index
      %parallel_loop3A_700 = tpu.vector_load %arg8[%parallel_loop3A_696, %parallel_loop3A_697, %parallel_loop3A_698, %parallel_loop3A_699] {strides = array<i32>} : memref<2x3x16x512xf32, #tpu.memory_space<vmem>>, vector<16xf32>,
      tpu.vector_store %arg8[%parallel_loop3A_696, %parallel_loop3A_697, %parallel_loop3A_698, %parallel_loop3A_699], %parallel_loop3A_693 {strides = array<i32>} : memref<2x3x16x512xf32, #tpu.memory_space<vmem>>, vector<16xf32>,
      %parallel_loop3A_701 = arith.select %parallel_loop3A_679, %div3A_76, %div3A_124 : vector<16xi1>, vector<16xf32>
      %parallel_loop3A_702 = arith.select %parallel_loop3A_682, %parallel_loop3A_701, %broadcast_in_dim3A_126 : vector<16xi1>, vector<16xf32>
      %parallel_loop3A_703 = arith.constant 0 : i32
      %parallel_loop3A_704 = arith.constant 2 : i32
      %parallel_loop3A_705 = arith.index_cast %parallel_loop3A_703 : i32 to index
      %parallel_loop3A_706 = arith.index_cast %parallel_loop3A_704 : i32 to index
      %parallel_loop3A_707 = arith.index_cast %parallel_loop3A_648 : i32 to index
      %parallel_loop3A_708 = arith.index_cast %parallel_loop3A_666 : i32 to index
      %parallel_loop3A_709 = tpu.vector_load %arg8[%parallel_loop3A_705, %parallel_loop3A_706, %parallel_loop3A_707, %parallel_loop3A_708] {strides = array<i32>} : memref<2x3x16x512xf32, #tpu.memory_space<vmem>>, vector<16xf32>,
      tpu.vector_store %arg8[%parallel_loop3A_705, %parallel_loop3A_706, %parallel_loop3A_707, %parallel_loop3A_708], %parallel_loop3A_702 {strides = array<i32>} : memref<2x3x16x512xf32, #tpu.memory_space<vmem>>, vector<16xf32>,
    } {sc.loop_unroll_factor = 8 : i64, sc.parallel_access}
    %add3A_470 = arith.constant 32 : i32
    %add3A_471 = arith.addi %mul3A_32, %add3A_470 : i32
    %dma_start3A_472 = arith.constant 0 : i32
    %dma_start3A_473 = arith.constant 0 : i32
    %dma_start3A_474 = arith.constant 0 : i32
    %dma_start3A_475 = arith.constant 0 : i32
    %dma_start3A_476 = arith.constant 0 : i32
    %dma_start3A_477 = tpu.memref_slice %arg8[%dma_start3A_472, %dma_start3A_474, %dma_start3A_475, %dma_start3A_476] : memref<2x3x16x512xf32, #tpu.memory_space<vmem>> -> memref<1x3x16x512xf32, #tpu.memory_space<vmem>>
    %dma_start3A_478 = tpu.memref_squeeze %dma_start3A_477 : memref<1x3x16x512xf32, #tpu.memory_space<vmem>> -> memref<3x16x512xf32, #tpu.memory_space<vmem>>
    %dma_start3A_479 = arith.constant 0 : i32
    %dma_start3A_480 = arith.constant 0 : i32
    %dma_start3A_481 = tpu.memref_slice %arg5[%select_n3A, %dma_start3A_479, %add3A_471, %dma_start3A_480] : memref<4x3x512x512xf32, #tpu.memory_space<hbm>> -> memref<1x3x16x512xf32, #tpu.memory_space<hbm>>
    %dma_start3A_482 = tpu.memref_squeeze %dma_start3A_481 : memref<1x3x16x512xf32, #tpu.memory_space<hbm>> -> memref<3x16x512xf32, #tpu.memory_space<hbm>>
    %dma_start3A_483 = tpu.memref_slice %arg12[%dma_start3A_473] : memref<2x!tpu.dma_semaphore, #tpu.memory_space<semaphore_mem>> -> memref<1x!tpu.dma_semaphore, #tpu.memory_space<semaphore_mem>>
    %dma_start3A_484 = tpu.memref_squeeze %dma_start3A_483 : memref<1x!tpu.dma_semaphore, #tpu.memory_space<semaphore_mem>> -> memref<!tpu.dma_semaphore, #tpu.memory_space<semaphore_mem>>
    %dma_start3A_485 = arith.constant 0 : i32
    %dma_start3A_486 = arith.constant 0 : i32
    %dma_start3A_487 = tpu.memref_slice %arg5[%select_n3A, %dma_start3A_485, %add3A_471, %dma_start3A_486] : memref<4x3x512x512xf32, #tpu.memory_space<hbm>> -> memref<1x3x16x512xf32, #tpu.memory_space<hbm>>
    %dma_start3A_488 = tpu.memref_squeeze %dma_start3A_487 : memref<1x3x16x512xf32, #tpu.memory_space<hbm>> -> memref<3x16x512xf32, #tpu.memory_space<hbm>>
    %dma_start3A_489 = arith.constant 0 : i32
    %dma_start3A_490 = arith.constant 0 : i32
    %dma_start3A_491 = arith.constant 0 : i32
    %dma_start3A_492 = tpu.memref_slice %arg8[%dma_start3A_472, %dma_start3A_489, %dma_start3A_490, %dma_start3A_491] : memref<2x3x16x512xf32, #tpu.memory_space<vmem>> -> memref<1x3x16x512xf32, #tpu.memory_space<vmem>>
    %dma_start3A_493 = tpu.memref_squeeze %dma_start3A_492 : memref<1x3x16x512xf32, #tpu.memory_space<vmem>> -> memref<3x16x512xf32, #tpu.memory_space<vmem>>
    tpu.enqueue_dma source(%dma_start3A_493 : memref<3x16x512xf32, #tpu.memory_space<vmem>>) target(%dma_start3A_488 : memref<3x16x512xf32, #tpu.memory_space<hbm>>) target_semaphore(%dma_start3A_484 : memref<!tpu.dma_semaphore, #tpu.memory_space<semaphore_mem>>)
    %dma_wait3A_494 = arith.constant 2 : i32
    %dma_wait3A_495 = arith.constant 1 : i32
    %dma_wait3A_496 = arith.constant 1 : i32
    %dma_wait3A_497 = arith.constant 0 : i32
    %dma_wait3A_498 = arith.constant 0 : i32
    %dma_wait3A_499 = tpu.memref_slice %arg6[%dma_wait3A_495, %dma_wait3A_497, %dma_wait3A_498] : memref<2x16x512xf32, #tpu.memory_space<vmem>> -> memref<1x16x512xf32, #tpu.memory_space<vmem>>
    %dma_wait3A_500 = tpu.memref_squeeze %dma_wait3A_499 : memref<1x16x512xf32, #tpu.memory_space<vmem>> -> memref<16x512xf32, #tpu.memory_space<vmem>>
    %dma_wait3A_501 = arith.constant 0 : i32
    %dma_wait3A_502 = tpu.memref_slice %arg2[%select_n3A, %dma_wait3A_494, %add3A_370, %dma_wait3A_501] : memref<4x3x512x512xf32, #tpu.memory_space<hbm>> -> memref<1x1x16x512xf32, #tpu.memory_space<hbm>>
    %dma_wait3A_503 = tpu.memref_squeeze %dma_wait3A_502 : memref<1x1x16x512xf32, #tpu.memory_space<hbm>> -> memref<16x512xf32, #tpu.memory_space<hbm>>
    %dma_wait3A_504 = tpu.memref_slice %arg10[%dma_wait3A_496] : memref<2x!tpu.dma_semaphore, #tpu.memory_space<semaphore_mem>> -> memref<1x!tpu.dma_semaphore, #tpu.memory_space<semaphore_mem>>
    %dma_wait3A_505 = tpu.memref_squeeze %dma_wait3A_504 : memref<1x!tpu.dma_semaphore, #tpu.memory_space<semaphore_mem>> -> memref<!tpu.dma_semaphore, #tpu.memory_space<semaphore_mem>>
    %dma_wait3A_506 = arith.constant 0 : i32
    %dma_wait3A_507 = arith.constant 0 : i32
    %dma_wait3A_508 = tpu.memref_slice %arg6[%dma_wait3A_495, %dma_wait3A_506, %dma_wait3A_507] : memref<2x16x512xf32, #tpu.memory_space<vmem>> -> memref<1x16x512xf32, #tpu.memory_space<vmem>>
    %dma_wait3A_509 = tpu.memref_squeeze %dma_wait3A_508 : memref<1x16x512xf32, #tpu.memory_space<vmem>> -> memref<16x512xf32, #tpu.memory_space<vmem>>
    %dma_wait3A_510 = arith.constant 0 : i32
    %dma_wait3A_511 = tpu.memref_slice %arg2[%select_n3A, %dma_wait3A_494, %add3A_370, %dma_wait3A_510] : memref<4x3x512x512xf32, #tpu.memory_space<hbm>> -> memref<1x1x16x512xf32, #tpu.memory_space<hbm>>
    %dma_wait3A_512 = tpu.memref_squeeze %dma_wait3A_511 : memref<1x1x16x512xf32, #tpu.memory_space<hbm>> -> memref<16x512xf32, #tpu.memory_space<hbm>>
    tpu.wait_dma2 semaphore(%dma_wait3A_505 : memref<!tpu.dma_semaphore, #tpu.memory_space<semaphore_mem>>) src(%dma_wait3A_512 : memref<16x512xf32, #tpu.memory_space<hbm>>) dst(%dma_wait3A_509 : memref<16x512xf32, #tpu.memory_space<vmem>>)
    %dma_wait3A_513 = arith.constant 1 : i32
    %dma_wait3A_514 = arith.constant 1 : i32
    %dma_wait3A_515 = arith.constant 0 : i32
    %dma_wait3A_516 = arith.constant 0 : i32
    %dma_wait3A_517 = tpu.memref_slice %arg7[%dma_wait3A_513, %dma_wait3A_515, %dma_wait3A_516] : memref<2x16x512xi32, #tpu.memory_space<vmem>> -> memref<1x16x512xi32, #tpu.memory_space<vmem>>
    %dma_wait3A_518 = tpu.memref_squeeze %dma_wait3A_517 : memref<1x16x512xi32, #tpu.memory_space<vmem>> -> memref<16x512xi32, #tpu.memory_space<vmem>>
    %dma_wait3A_519 = arith.constant 0 : i32
    %dma_wait3A_520 = tpu.memref_slice %arg3[%select_n3A, %add3A_370, %dma_wait3A_519] : memref<4x512x512xi32, #tpu.memory_space<hbm>> -> memref<1x16x512xi32, #tpu.memory_space<hbm>>
    %dma_wait3A_521 = tpu.memref_squeeze %dma_wait3A_520 : memref<1x16x512xi32, #tpu.memory_space<hbm>> -> memref<16x512xi32, #tpu.memory_space<hbm>>
    %dma_wait3A_522 = tpu.memref_slice %arg11[%dma_wait3A_514] : memref<2x!tpu.dma_semaphore, #tpu.memory_space<semaphore_mem>> -> memref<1x!tpu.dma_semaphore, #tpu.memory_space<semaphore_mem>>
    %dma_wait3A_523 = tpu.memref_squeeze %dma_wait3A_522 : memref<1x!tpu.dma_semaphore, #tpu.memory_space<semaphore_mem>> -> memref<!tpu.dma_semaphore, #tpu.memory_space<semaphore_mem>>
    %dma_wait3A_524 = arith.constant 0 : i32
    %dma_wait3A_525 = arith.constant 0 : i32
    %dma_wait3A_526 = tpu.memref_slice %arg7[%dma_wait3A_513, %dma_wait3A_524, %dma_wait3A_525] : memref<2x16x512xi32, #tpu.memory_space<vmem>> -> memref<1x16x512xi32, #tpu.memory_space<vmem>>
    %dma_wait3A_527 = tpu.memref_squeeze %dma_wait3A_526 : memref<1x16x512xi32, #tpu.memory_space<vmem>> -> memref<16x512xi32, #tpu.memory_space<vmem>>
    %dma_wait3A_528 = arith.constant 0 : i32
    %dma_wait3A_529 = tpu.memref_slice %arg3[%select_n3A, %add3A_370, %dma_wait3A_528] : memref<4x512x512xi32, #tpu.memory_space<hbm>> -> memref<1x16x512xi32, #tpu.memory_space<hbm>>
    %dma_wait3A_530 = tpu.memref_squeeze %dma_wait3A_529 : memref<1x16x512xi32, #tpu.memory_space<hbm>> -> memref<16x512xi32, #tpu.memory_space<hbm>>
    tpu.wait_dma2 semaphore(%dma_wait3A_523 : memref<!tpu.dma_semaphore, #tpu.memory_space<semaphore_mem>>) src(%dma_wait3A_530 : memref<16x512xi32, #tpu.memory_space<hbm>>) dst(%dma_wait3A_527 : memref<16x512xi32, #tpu.memory_space<vmem>>)
    %dma_wait3A_531 = arith.constant 1 : i32
    %dma_wait3A_532 = arith.constant 1 : i32
    %dma_wait3A_533 = arith.constant 0 : i32
    %dma_wait3A_534 = arith.constant 0 : i32
    %dma_wait3A_535 = arith.constant 0 : i32
    %dma_wait3A_536 = tpu.memref_slice %arg8[%dma_wait3A_531, %dma_wait3A_533, %dma_wait3A_534, %dma_wait3A_535] : memref<2x3x16x512xf32, #tpu.memory_space<vmem>> -> memref<1x3x16x512xf32, #tpu.memory_space<vmem>>
    %dma_wait3A_537 = tpu.memref_squeeze %dma_wait3A_536 : memref<1x3x16x512xf32, #tpu.memory_space<vmem>> -> memref<3x16x512xf32, #tpu.memory_space<vmem>>
    %dma_wait3A_538 = arith.constant 0 : i32
    %dma_wait3A_539 = arith.constant 0 : i32
    %dma_wait3A_540 = tpu.memref_slice %arg5[%select_n3A, %dma_wait3A_538, %add3A_346, %dma_wait3A_539] : memref<4x3x512x512xf32, #tpu.memory_space<hbm>> -> memref<1x3x16x512xf32, #tpu.memory_space<hbm>>
    %dma_wait3A_541 = tpu.memref_squeeze %dma_wait3A_540 : memref<1x3x16x512xf32, #tpu.memory_space<hbm>> -> memref<3x16x512xf32, #tpu.memory_space<hbm>>
    %dma_wait3A_542 = tpu.memref_slice %arg12[%dma_wait3A_532] : memref<2x!tpu.dma_semaphore, #tpu.memory_space<semaphore_mem>> -> memref<1x!tpu.dma_semaphore, #tpu.memory_space<semaphore_mem>>
    %dma_wait3A_543 = tpu.memref_squeeze %dma_wait3A_542 : memref<1x!tpu.dma_semaphore, #tpu.memory_space<semaphore_mem>> -> memref<!tpu.dma_semaphore, #tpu.memory_space<semaphore_mem>>
    %dma_wait3A_544 = arith.constant 0 : i32
    %dma_wait3A_545 = arith.constant 0 : i32
    %dma_wait3A_546 = tpu.memref_slice %arg5[%select_n3A, %dma_wait3A_544, %add3A_346, %dma_wait3A_545] : memref<4x3x512x512xf32, #tpu.memory_space<hbm>> -> memref<1x3x16x512xf32, #tpu.memory_space<hbm>>
    %dma_wait3A_547 = tpu.memref_squeeze %dma_wait3A_546 : memref<1x3x16x512xf32, #tpu.memory_space<hbm>> -> memref<3x16x512xf32, #tpu.memory_space<hbm>>
    %dma_wait3A_548 = arith.constant 0 : i32
    %dma_wait3A_549 = arith.constant 0 : i32
    %dma_wait3A_550 = arith.constant 0 : i32
    %dma_wait3A_551 = tpu.memref_slice %arg8[%dma_wait3A_531, %dma_wait3A_548, %dma_wait3A_549, %dma_wait3A_550] : memref<2x3x16x512xf32, #tpu.memory_space<vmem>> -> memref<1x3x16x512xf32, #tpu.memory_space<vmem>>
    %dma_wait3A_552 = tpu.memref_squeeze %dma_wait3A_551 : memref<1x3x16x512xf32, #tpu.memory_space<vmem>> -> memref<3x16x512xf32, #tpu.memory_space<vmem>>
    tpu.wait_dma2 semaphore(%dma_wait3A_543 : memref<!tpu.dma_semaphore, #tpu.memory_space<semaphore_mem>>) src(%dma_wait3A_552 : memref<3x16x512xf32, #tpu.memory_space<vmem>>) dst(%dma_wait3A_547 : memref<3x16x512xf32, #tpu.memory_space<hbm>>)
    %parallel_loop3A_553 = arith.constant 0 : i32
    %parallel_loop3A_554 = arith.constant 512 : i32
    %parallel_loop3A_555 = arith.constant 1 : i32
    scf.for %parallel_loop3A_624 = %parallel_loop3A_553 to %parallel_loop3A_554 step %parallel_loop3A_555  : i32 {
      %parallel_loop3A_625 = arith.constant 32 : i32
      %parallel_loop3A_626 = arith.divsi %parallel_loop3A_624, %parallel_loop3A_625 : i32
      %parallel_loop3A_627 = arith.constant 0 : i32
      %parallel_loop3A_628 = arith.cmpi sgt, %parallel_loop3A_624, %parallel_loop3A_627 : i32
      %parallel_loop3A_629 = arith.extui %parallel_loop3A_628 : i1 to i32
      %parallel_loop3A_630 = arith.constant 0 : i32
      %parallel_loop3A_631 = arith.cmpi slt, %parallel_loop3A_624, %parallel_loop3A_630 : i32
      %parallel_loop3A_632 = arith.extui %parallel_loop3A_631 : i1 to i32
      %parallel_loop3A_633 = arith.subi %parallel_loop3A_629, %parallel_loop3A_632 : i32
      %parallel_loop3A_634 = arith.constant 0 : i32
      %parallel_loop3A_635 = arith.cmpi sgt, %parallel_loop3A_625, %parallel_loop3A_634 : i32
      %parallel_loop3A_636 = arith.extui %parallel_loop3A_635 : i1 to i32
      %parallel_loop3A_637 = arith.constant 0 : i32
      %parallel_loop3A_638 = arith.cmpi slt, %parallel_loop3A_625, %parallel_loop3A_637 : i32
      %parallel_loop3A_639 = arith.extui %parallel_loop3A_638 : i1 to i32
      %parallel_loop3A_640 = arith.subi %parallel_loop3A_636, %parallel_loop3A_639 : i32
      %parallel_loop3A_641 = arith.cmpi ne, %parallel_loop3A_633, %parallel_loop3A_640 : i32
      %parallel_loop3A_642 = arith.remsi %parallel_loop3A_624, %parallel_loop3A_625 : i32
      %parallel_loop3A_643 = arith.constant 0 : i32
      %parallel_loop3A_644 = arith.cmpi ne, %parallel_loop3A_642, %parallel_loop3A_643 : i32
      %parallel_loop3A_645 = arith.andi %parallel_loop3A_641, %parallel_loop3A_644 : i1
      %parallel_loop3A_646 = arith.constant 1 : i32
      %parallel_loop3A_647 = arith.subi %parallel_loop3A_626, %parallel_loop3A_646 : i32
      %parallel_loop3A_648 = arith.select %parallel_loop3A_645, %parallel_loop3A_647, %parallel_loop3A_626 : i32
      %parallel_loop3A_649 = arith.constant 32 : i32
      %parallel_loop3A_650 = arith.constant 0 : i32
      %parallel_loop3A_651 = arith.cmpi eq, %parallel_loop3A_649, %parallel_loop3A_650 : i32
      %parallel_loop3A_652 = arith.constant 1 : i32
      %parallel_loop3A_653 = arith.select %parallel_loop3A_651, %parallel_loop3A_652, %parallel_loop3A_649 : i32
      %parallel_loop3A_654 = arith.remsi %parallel_loop3A_624, %parallel_loop3A_653 : i32
      %parallel_loop3A_655 = arith.constant 0 : i32
      %parallel_loop3A_656 = arith.cmpi ne, %parallel_loop3A_654, %parallel_loop3A_655 : i32
      %parallel_loop3A_657 = arith.constant 0 : i32
      %parallel_loop3A_658 = arith.cmpi slt, %parallel_loop3A_654, %parallel_loop3A_657 : i32
      %parallel_loop3A_659 = arith.constant 0 : i32
      %parallel_loop3A_660 = arith.cmpi slt, %parallel_loop3A_653, %parallel_loop3A_659 : i32
      %parallel_loop3A_661 = arith.xori %parallel_loop3A_658, %parallel_loop3A_660 : i1
      %parallel_loop3A_662 = arith.andi %parallel_loop3A_661, %parallel_loop3A_656 : i1
      %parallel_loop3A_663 = arith.addi %parallel_loop3A_654, %parallel_loop3A_653 : i32
      %parallel_loop3A_664 = arith.select %parallel_loop3A_662, %parallel_loop3A_663, %parallel_loop3A_654 : i32
      %parallel_loop3A_665 = arith.constant 16 : i32
      %parallel_loop3A_666 = arith.muli %parallel_loop3A_664, %parallel_loop3A_665 : i32
      %parallel_loop3A_667 = arith.constant 1 : i32
      %parallel_loop3A_668 = arith.index_cast %parallel_loop3A_667 : i32 to index
      %parallel_loop3A_669 = arith.index_cast %parallel_loop3A_648 : i32 to index
      %parallel_loop3A_670 = arith.index_cast %parallel_loop3A_666 : i32 to index
      %parallel_loop3A_671 = tpu.vector_load %arg6[%parallel_loop3A_668, %parallel_loop3A_669, %parallel_loop3A_670] {strides = array<i32>} : memref<2x16x512xf32, #tpu.memory_space<vmem>>, vector<16xf32>,
      %parallel_loop3A_672 = arith.constant 1 : i32
      %parallel_loop3A_673 = arith.index_cast %parallel_loop3A_672 : i32 to index
      %parallel_loop3A_674 = arith.index_cast %parallel_loop3A_648 : i32 to index
      %parallel_loop3A_675 = arith.index_cast %parallel_loop3A_666 : i32 to index
      %parallel_loop3A_676 = tpu.vector_load %arg7[%parallel_loop3A_673, %parallel_loop3A_674, %parallel_loop3A_675] {strides = array<i32>} : memref<2x16x512xi32, #tpu.memory_space<vmem>>, vector<16xi32>,
      %parallel_loop3A_677 = arith.constant -1.000000e+00 : f32
      %parallel_loop3A_678 = vector.broadcast %parallel_loop3A_677 : f32 to vector<16xf32>
      %parallel_loop3A_679 = arith.cmpf ogt, %parallel_loop3A_671, %parallel_loop3A_678 : vector<16xf32>
      %parallel_loop3A_680 = arith.constant 1 : i32
      %parallel_loop3A_681 = vector.broadcast %parallel_loop3A_680 : i32 to vector<16xi32>
      %parallel_loop3A_682 = arith.cmpi eq, %parallel_loop3A_676, %parallel_loop3A_681 : vector<16xi32>
      %parallel_loop3A_683 = arith.select %parallel_loop3A_679, %div3A_44, %div3A_92 : vector<16xi1>, vector<16xf32>
      %parallel_loop3A_684 = arith.select %parallel_loop3A_682, %parallel_loop3A_683, %broadcast_in_dim3A_126 : vector<16xi1>, vector<16xf32>
      %parallel_loop3A_685 = arith.constant 1 : i32
      %parallel_loop3A_686 = arith.constant 0 : i32
      %parallel_loop3A_687 = arith.index_cast %parallel_loop3A_685 : i32 to index
      %parallel_loop3A_688 = arith.index_cast %parallel_loop3A_686 : i32 to index
      %parallel_loop3A_689 = arith.index_cast %parallel_loop3A_648 : i32 to index
      %parallel_loop3A_690 = arith.index_cast %parallel_loop3A_666 : i32 to index
      %parallel_loop3A_691 = tpu.vector_load %arg8[%parallel_loop3A_687, %parallel_loop3A_688, %parallel_loop3A_689, %parallel_loop3A_690] {strides = array<i32>} : memref<2x3x16x512xf32, #tpu.memory_space<vmem>>, vector<16xf32>,
      tpu.vector_store %arg8[%parallel_loop3A_687, %parallel_loop3A_688, %parallel_loop3A_689, %parallel_loop3A_690], %parallel_loop3A_684 {strides = array<i32>} : memref<2x3x16x512xf32, #tpu.memory_space<vmem>>, vector<16xf32>,
      %parallel_loop3A_692 = arith.select %parallel_loop3A_679, %div3A_60, %div3A_108 : vector<16xi1>, vector<16xf32>
      %parallel_loop3A_693 = arith.select %parallel_loop3A_682, %parallel_loop3A_692, %broadcast_in_dim3A_126 : vector<16xi1>, vector<16xf32>
      %parallel_loop3A_694 = arith.constant 1 : i32
      %parallel_loop3A_695 = arith.constant 1 : i32
      %parallel_loop3A_696 = arith.index_cast %parallel_loop3A_694 : i32 to index
      %parallel_loop3A_697 = arith.index_cast %parallel_loop3A_695 : i32 to index
      %parallel_loop3A_698 = arith.index_cast %parallel_loop3A_648 : i32 to index
      %parallel_loop3A_699 = arith.index_cast %parallel_loop3A_666 : i32 to index
      %parallel_loop3A_700 = tpu.vector_load %arg8[%parallel_loop3A_696, %parallel_loop3A_697, %parallel_loop3A_698, %parallel_loop3A_699] {strides = array<i32>} : memref<2x3x16x512xf32, #tpu.memory_space<vmem>>, vector<16xf32>,
      tpu.vector_store %arg8[%parallel_loop3A_696, %parallel_loop3A_697, %parallel_loop3A_698, %parallel_loop3A_699], %parallel_loop3A_693 {strides = array<i32>} : memref<2x3x16x512xf32, #tpu.memory_space<vmem>>, vector<16xf32>,
      %parallel_loop3A_701 = arith.select %parallel_loop3A_679, %div3A_76, %div3A_124 : vector<16xi1>, vector<16xf32>
      %parallel_loop3A_702 = arith.select %parallel_loop3A_682, %parallel_loop3A_701, %broadcast_in_dim3A_126 : vector<16xi1>, vector<16xf32>
      %parallel_loop3A_703 = arith.constant 1 : i32
      %parallel_loop3A_704 = arith.constant 2 : i32
      %parallel_loop3A_705 = arith.index_cast %parallel_loop3A_703 : i32 to index
      %parallel_loop3A_706 = arith.index_cast %parallel_loop3A_704 : i32 to index
      %parallel_loop3A_707 = arith.index_cast %parallel_loop3A_648 : i32 to index
      %parallel_loop3A_708 = arith.index_cast %parallel_loop3A_666 : i32 to index
      %parallel_loop3A_709 = tpu.vector_load %arg8[%parallel_loop3A_705, %parallel_loop3A_706, %parallel_loop3A_707, %parallel_loop3A_708] {strides = array<i32>} : memref<2x3x16x512xf32, #tpu.memory_space<vmem>>, vector<16xf32>,
      tpu.vector_store %arg8[%parallel_loop3A_705, %parallel_loop3A_706, %parallel_loop3A_707, %parallel_loop3A_708], %parallel_loop3A_702 {strides = array<i32>} : memref<2x3x16x512xf32, #tpu.memory_space<vmem>>, vector<16xf32>,
    } {sc.loop_unroll_factor = 8 : i64, sc.parallel_access}
    %add3A_556 = arith.constant 48 : i32
    %add3A_557 = arith.addi %mul3A_32, %add3A_556 : i32
    %dma_start3A_558 = arith.constant 1 : i32
    %dma_start3A_559 = arith.constant 1 : i32
    %dma_start3A_560 = arith.constant 0 : i32
    %dma_start3A_561 = arith.constant 0 : i32
    %dma_start3A_562 = arith.constant 0 : i32
    %dma_start3A_563 = tpu.memref_slice %arg8[%dma_start3A_558, %dma_start3A_560, %dma_start3A_561, %dma_start3A_562] : memref<2x3x16x512xf32, #tpu.memory_space<vmem>> -> memref<1x3x16x512xf32, #tpu.memory_space<vmem>>
    %dma_start3A_564 = tpu.memref_squeeze %dma_start3A_563 : memref<1x3x16x512xf32, #tpu.memory_space<vmem>> -> memref<3x16x512xf32, #tpu.memory_space<vmem>>
    %dma_start3A_565 = arith.constant 0 : i32
    %dma_start3A_566 = arith.constant 0 : i32
    %dma_start3A_567 = tpu.memref_slice %arg5[%select_n3A, %dma_start3A_565, %add3A_557, %dma_start3A_566] : memref<4x3x512x512xf32, #tpu.memory_space<hbm>> -> memref<1x3x16x512xf32, #tpu.memory_space<hbm>>
    %dma_start3A_568 = tpu.memref_squeeze %dma_start3A_567 : memref<1x3x16x512xf32, #tpu.memory_space<hbm>> -> memref<3x16x512xf32, #tpu.memory_space<hbm>>
    %dma_start3A_569 = tpu.memref_slice %arg12[%dma_start3A_559] : memref<2x!tpu.dma_semaphore, #tpu.memory_space<semaphore_mem>> -> memref<1x!tpu.dma_semaphore, #tpu.memory_space<semaphore_mem>>
    %dma_start3A_570 = tpu.memref_squeeze %dma_start3A_569 : memref<1x!tpu.dma_semaphore, #tpu.memory_space<semaphore_mem>> -> memref<!tpu.dma_semaphore, #tpu.memory_space<semaphore_mem>>
    %dma_start3A_571 = arith.constant 0 : i32
    %dma_start3A_572 = arith.constant 0 : i32
    %dma_start3A_573 = tpu.memref_slice %arg5[%select_n3A, %dma_start3A_571, %add3A_557, %dma_start3A_572] : memref<4x3x512x512xf32, #tpu.memory_space<hbm>> -> memref<1x3x16x512xf32, #tpu.memory_space<hbm>>
    %dma_start3A_574 = tpu.memref_squeeze %dma_start3A_573 : memref<1x3x16x512xf32, #tpu.memory_space<hbm>> -> memref<3x16x512xf32, #tpu.memory_space<hbm>>
    %dma_start3A_575 = arith.constant 0 : i32
    %dma_start3A_576 = arith.constant 0 : i32
    %dma_start3A_577 = arith.constant 0 : i32
    %dma_start3A_578 = tpu.memref_slice %arg8[%dma_start3A_558, %dma_start3A_575, %dma_start3A_576, %dma_start3A_577] : memref<2x3x16x512xf32, #tpu.memory_space<vmem>> -> memref<1x3x16x512xf32, #tpu.memory_space<vmem>>
    %dma_start3A_579 = tpu.memref_squeeze %dma_start3A_578 : memref<1x3x16x512xf32, #tpu.memory_space<vmem>> -> memref<3x16x512xf32, #tpu.memory_space<vmem>>
    tpu.enqueue_dma source(%dma_start3A_579 : memref<3x16x512xf32, #tpu.memory_space<vmem>>) target(%dma_start3A_574 : memref<3x16x512xf32, #tpu.memory_space<hbm>>) target_semaphore(%dma_start3A_570 : memref<!tpu.dma_semaphore, #tpu.memory_space<semaphore_mem>>)
    %dma_wait3A_580 = arith.constant 0 : i32
    %dma_wait3A_581 = arith.constant 0 : i32
    %dma_wait3A_582 = arith.constant 0 : i32
    %dma_wait3A_583 = arith.constant 0 : i32
    %dma_wait3A_584 = arith.constant 0 : i32
    %dma_wait3A_585 = tpu.memref_slice %arg8[%dma_wait3A_580, %dma_wait3A_582, %dma_wait3A_583, %dma_wait3A_584] : memref<2x3x16x512xf32, #tpu.memory_space<vmem>> -> memref<1x3x16x512xf32, #tpu.memory_space<vmem>>
    %dma_wait3A_586 = tpu.memref_squeeze %dma_wait3A_585 : memref<1x3x16x512xf32, #tpu.memory_space<vmem>> -> memref<3x16x512xf32, #tpu.memory_space<vmem>>
    %dma_wait3A_587 = arith.constant 0 : i32
    %dma_wait3A_588 = arith.constant 0 : i32
    %dma_wait3A_589 = tpu.memref_slice %arg5[%select_n3A, %dma_wait3A_587, %add3A_471, %dma_wait3A_588] : memref<4x3x512x512xf32, #tpu.memory_space<hbm>> -> memref<1x3x16x512xf32, #tpu.memory_space<hbm>>
    %dma_wait3A_590 = tpu.memref_squeeze %dma_wait3A_589 : memref<1x3x16x512xf32, #tpu.memory_space<hbm>> -> memref<3x16x512xf32, #tpu.memory_space<hbm>>
    %dma_wait3A_591 = tpu.memref_slice %arg12[%dma_wait3A_581] : memref<2x!tpu.dma_semaphore, #tpu.memory_space<semaphore_mem>> -> memref<1x!tpu.dma_semaphore, #tpu.memory_space<semaphore_mem>>
    %dma_wait3A_592 = tpu.memref_squeeze %dma_wait3A_591 : memref<1x!tpu.dma_semaphore, #tpu.memory_space<semaphore_mem>> -> memref<!tpu.dma_semaphore, #tpu.memory_space<semaphore_mem>>
    %dma_wait3A_593 = arith.constant 0 : i32
    %dma_wait3A_594 = arith.constant 0 : i32
    %dma_wait3A_595 = tpu.memref_slice %arg5[%select_n3A, %dma_wait3A_593, %add3A_471, %dma_wait3A_594] : memref<4x3x512x512xf32, #tpu.memory_space<hbm>> -> memref<1x3x16x512xf32, #tpu.memory_space<hbm>>
    %dma_wait3A_596 = tpu.memref_squeeze %dma_wait3A_595 : memref<1x3x16x512xf32, #tpu.memory_space<hbm>> -> memref<3x16x512xf32, #tpu.memory_space<hbm>>
    %dma_wait3A_597 = arith.constant 0 : i32
    %dma_wait3A_598 = arith.constant 0 : i32
    %dma_wait3A_599 = arith.constant 0 : i32
    %dma_wait3A_600 = tpu.memref_slice %arg8[%dma_wait3A_580, %dma_wait3A_597, %dma_wait3A_598, %dma_wait3A_599] : memref<2x3x16x512xf32, #tpu.memory_space<vmem>> -> memref<1x3x16x512xf32, #tpu.memory_space<vmem>>
    %dma_wait3A_601 = tpu.memref_squeeze %dma_wait3A_600 : memref<1x3x16x512xf32, #tpu.memory_space<vmem>> -> memref<3x16x512xf32, #tpu.memory_space<vmem>>
    tpu.wait_dma2 semaphore(%dma_wait3A_592 : memref<!tpu.dma_semaphore, #tpu.memory_space<semaphore_mem>>) src(%dma_wait3A_601 : memref<3x16x512xf32, #tpu.memory_space<vmem>>) dst(%dma_wait3A_596 : memref<3x16x512xf32, #tpu.memory_space<hbm>>)
    %dma_wait3A_602 = arith.constant 1 : i32
    %dma_wait3A_603 = arith.constant 1 : i32
    %dma_wait3A_604 = arith.constant 0 : i32
    %dma_wait3A_605 = arith.constant 0 : i32
    %dma_wait3A_606 = arith.constant 0 : i32
    %dma_wait3A_607 = tpu.memref_slice %arg8[%dma_wait3A_602, %dma_wait3A_604, %dma_wait3A_605, %dma_wait3A_606] : memref<2x3x16x512xf32, #tpu.memory_space<vmem>> -> memref<1x3x16x512xf32, #tpu.memory_space<vmem>>
    %dma_wait3A_608 = tpu.memref_squeeze %dma_wait3A_607 : memref<1x3x16x512xf32, #tpu.memory_space<vmem>> -> memref<3x16x512xf32, #tpu.memory_space<vmem>>
    %dma_wait3A_609 = arith.constant 0 : i32
    %dma_wait3A_610 = arith.constant 0 : i32
    %dma_wait3A_611 = tpu.memref_slice %arg5[%select_n3A, %dma_wait3A_609, %add3A_557, %dma_wait3A_610] : memref<4x3x512x512xf32, #tpu.memory_space<hbm>> -> memref<1x3x16x512xf32, #tpu.memory_space<hbm>>
    %dma_wait3A_612 = tpu.memref_squeeze %dma_wait3A_611 : memref<1x3x16x512xf32, #tpu.memory_space<hbm>> -> memref<3x16x512xf32, #tpu.memory_space<hbm>>
    %dma_wait3A_613 = tpu.memref_slice %arg12[%dma_wait3A_603] : memref<2x!tpu.dma_semaphore, #tpu.memory_space<semaphore_mem>> -> memref<1x!tpu.dma_semaphore, #tpu.memory_space<semaphore_mem>>
    %dma_wait3A_614 = tpu.memref_squeeze %dma_wait3A_613 : memref<1x!tpu.dma_semaphore, #tpu.memory_space<semaphore_mem>> -> memref<!tpu.dma_semaphore, #tpu.memory_space<semaphore_mem>>
    %dma_wait3A_615 = arith.constant 0 : i32
    %dma_wait3A_616 = arith.constant 0 : i32
    %dma_wait3A_617 = tpu.memref_slice %arg5[%select_n3A, %dma_wait3A_615, %add3A_557, %dma_wait3A_616] : memref<4x3x512x512xf32, #tpu.memory_space<hbm>> -> memref<1x3x16x512xf32, #tpu.memory_space<hbm>>
    %dma_wait3A_618 = tpu.memref_squeeze %dma_wait3A_617 : memref<1x3x16x512xf32, #tpu.memory_space<hbm>> -> memref<3x16x512xf32, #tpu.memory_space<hbm>>
    %dma_wait3A_619 = arith.constant 0 : i32
    %dma_wait3A_620 = arith.constant 0 : i32
    %dma_wait3A_621 = arith.constant 0 : i32
    %dma_wait3A_622 = tpu.memref_slice %arg8[%dma_wait3A_602, %dma_wait3A_619, %dma_wait3A_620, %dma_wait3A_621] : memref<2x3x16x512xf32, #tpu.memory_space<vmem>> -> memref<1x3x16x512xf32, #tpu.memory_space<vmem>>
    %dma_wait3A_623 = tpu.memref_squeeze %dma_wait3A_622 : memref<1x3x16x512xf32, #tpu.memory_space<vmem>> -> memref<3x16x512xf32, #tpu.memory_space<vmem>>
    tpu.wait_dma2 semaphore(%dma_wait3A_614 : memref<!tpu.dma_semaphore, #tpu.memory_space<semaphore_mem>>) src(%dma_wait3A_623 : memref<3x16x512xf32, #tpu.memory_space<vmem>>) dst(%dma_wait3A_618 : memref<3x16x512xf32, #tpu.memory_space<hbm>>)
    return
  }
}

</mosaic_0001>

<sc_bundles>
// kernel: _run.3.cloned.1.call-start
scs
__scs_entry_jumppad:
0x0: {  	(pc) =	sbr.rel $0x88, $3  }
0x1: {  	(tag) =	ssettag $0x0;
	lr =	simm.s32 $0x1  }
0x2: {  	[smem:$0x3F9E] =	sst lr;
	_ =	strace $0xD0000000  }
0x3: {  	_ = 	snop  }
0x4: {  	_ = 	snop  }
0x5: {  	_ = 	snop  }
0x6: {  	_ = 	snop  }
0x7: {  	_ = 	snop  }
__scs_overlays_trampoline_lowered:
0x8: {  	[smem:$0x3FAD] =	sst s0  }
0x9: {  	[smem:$0x3FAE] =	sst s1  }
0xa: {  	[smem:$0x3FAF] =	sst s2  }
0xb: {  	[smem:$0x3FB0] =	sst s3  }
0xc: {  	[smem:$0x3FB1] =	sst s4  }
0xd: {  	[smem:$0x3FB2] =	sst s5  }
0xe: {  	[smem:$0x3FB3] =	sst s6  }
0xf: {  	[smem:$0x3FB4] =	sst s7  }
0x10: {  	[smem:$0x3FB5] =	sst s8  }
0x11: {  	[smem:$0x3FB6] =	sst s9;
	s0 =	simm.s32 @!p0 $0x0  }
0x12: {  	s1 =	sld [smem:$0x3F9C];
	s0 =	simm.s32 @p0 $0x1  }
0x13: {  	[smem:$0x3FB7] =	sst s0;
	s0 =	simm.s32 @!p1 $0x0  }
0x14: {  	s2 =	sld [smem:$0x3F9B];
	s0 =	simm.s32 @p1 $0x1  }
0x15: {  	[smem:$0x3FB8] =	sst s0;
	s0 =	simm.s32 @!p2 $0x0  }
0x16: {  	s3 =	sld [smem:$0x3FDB];
	s0 =	simm.s32 @p2 $0x1  }
0x17: {  	s4 =	simm.s32 $0x1BF5;
	[smem:$0x3FBA] =	sst s0  }
0x18: {  	s0 =	sld [smem:$0x3F9D];
	_ =	swait.ge [sflag:s4], $0x0  }
0x19: {  	s7 =	sld [smem:$0x3F9E]  }
0x1a: {  	s8 =	sadd.s32 $0xFFFFE003, lr  }
0x1b: {  	s9 =	sadd.s32 $0xFFFFFEF7, lr;
	s5 =	simm.s32 $0xFFFFFFFF;
	p2 =	slt.u32 s8, $0xFFFFF086  }
0x1c: {  	p1 =	slt.u32 s9, $0xF7A;
	s5 =	simm.s32 @!p2 $0x0  }
0x1d: {  	s5 =	simm.s32 @p1 $0x1;
	p0 =	seq.s32 s7, s2  }
0x1e: {  	s7 =	smul.u32 @!p0 $0xF7A, s2;
	p2 =	seq.s32 @!p0 s5, $0x0  }
0x1f: {  	s9 =	smul.u32 $0xF7A, s1;
	s8 =	simm.s32 @!p0 $0x1BF5;
	p2 =	por !p2, p0  }
0x20: {  	[sflag:s8] =	ssyncset.s32 @!p0 $0xFFFFF086;
	s6 =	sadd.s32 @!p0 s3, s7;
	s7 =	simm.s32 @!p0 $0x108  }
0x21: {  	s3 =	sadd.s32 s3, s9;
	s6 =	sadd.s32 @!p0 $0x88, s6;
	s7 =	simm.s32 @p2 $0x1082  }
0x22: {  	[simem:s7], [sflag:s8] =	dma.local @!p0 [hbm:s6], $0xF7A  }
0x23: {  	s9 =	sor.u32 $0xD0000000, s2;
	s6 =	simm.s32 $0x108;
	_ =	swait.ge @!p0 [sflag:s8], $0x0  }
0x24: {  	s3 =	sadd.s32 $0x88, s3;
	s6 =	simm.s32 @!p1 $0x1082;
	[sflag:s4] =	ssyncset.s32 $0xFFFFF086  }
0x25: {  	[simem:s6], [sflag:s4] =	dma.local [hbm:s3], $0xF7A  }
0x26: {  	[smem:$0x3F9E] =	sst s1;
	(tag) =	ssettag s2;
	_ =	strace s9  }
0x27: {  	s1 =	sld [smem:$0x3FAE]  }
0x28: {  	s2 =	sld [smem:$0x3FAF]  }
0x29: {  	s4 =	sld [smem:$0x3FB1]  }
0x2a: {  	p0 =	seq.s32 s5, $0x0;
	s5 =	sld [smem:$0x3FB2]  }
0x2b: {  	s6 =	sld [smem:$0x3FB3]  }
0x2c: {  	s7 =	sld [smem:$0x3FB4]  }
0x2d: {  	s3 =	simm.s32 $0x108;
	s8 =	sld [smem:$0x3FB5]  }
0x2e: {  	s3 =	simm.s32 @!p0 $0x1082;
	s9 =	sld [smem:$0x3FB6]  }
0x2f: {  	lr =	sadd.s32 s0, s3;
	s0 =	sld [smem:$0x3FAD]  }
0x30: {  	s3 =	sld [smem:$0x3FB0]  }
0x31: {  	[smem:$0x3FB9] =	sst s10  }
0x32: {  	s10 =	sld [smem:$0x3FB7];
	_ =	sdelay $0x3  }
0x33: {  	p0 =	seq.s32 s10, $0x1;
	s10 =	sld [smem:$0x3FB9];
	_ =	sdelay $0x3  }
0x34: {  	[smem:$0x3FB9] =	sst s10  }
0x35: {  	s10 =	sld [smem:$0x3FB8];
	_ =	sdelay $0x3  }
0x36: {  	p1 =	seq.s32 s10, $0x1;
	s10 =	sld [smem:$0x3FB9];
	_ =	sdelay $0x3  }
0x37: {  	[smem:$0x3FB9] =	sst s10  }
0x38: {  	s10 =	sld [smem:$0x3FBA]  }
0x39: {  	_ = 	snop;
	(pc) =	sbr.ind lr, $3  }
0x3a: {  	_ = 	snop  }
0x3b: {  	_ = 	snop  }
0x3c: {  	p2 =	seq.s32 s10, $0x1;
	s10 =	sld [smem:$0x3FB9]  }
0x3d: {  	_ =	shalt  }
0x3e: {  	_ =	shalt  }
0x3f: {  	_ =	shalt  }
0x40: {  	_ =	shalt  }
0x41: {  	_ =	shalt  }
0x42: {  	_ =	shalt  }
0x43: {  	_ =	shalt  }
0x44: {  	_ =	shalt  }
0x45: {  	_ =	shalt  }
0x46: {  	_ =	shalt  }
0x47: {  	_ =	shalt  }
0x48: {  	_ =	shalt  }
0x49: {  	_ =	shalt  }
0x4a: {  	_ =	shalt  }
0x4b: {  	_ =	shalt  }
0x4c: {  	_ =	shalt  }
0x4d: {  	_ =	shalt  }
0x4e: {  	_ =	shalt  }
0x4f: {  	_ =	shalt  }
0x50: {  	_ =	shalt  }
0x51: {  	_ =	shalt  }
0x52: {  	_ =	shalt  }
0x53: {  	_ =	shalt  }
0x54: {  	_ =	shalt  }
0x55: {  	_ =	shalt  }
0x56: {  	_ =	shalt  }
0x57: {  	_ =	shalt  }
0x58: {  	_ =	shalt  }
0x59: {  	_ =	shalt  }
0x5a: {  	_ =	shalt  }
0x5b: {  	_ =	shalt  }
0x5c: {  	_ =	shalt  }
0x5d: {  	_ =	shalt  }
0x5e: {  	_ =	shalt  }
0x5f: {  	_ =	shalt  }
0x60: {  	_ =	shalt  }
0x61: {  	_ =	shalt  }
0x62: {  	_ =	shalt  }
0x63: {  	_ =	shalt  }
0x64: {  	_ =	shalt  }
0x65: {  	_ =	shalt  }
0x66: {  	_ =	shalt  }
0x67: {  	_ =	shalt  }
0x68: {  	_ =	shalt  }
0x69: {  	_ =	shalt  }
0x6a: {  	_ =	shalt  }
0x6b: {  	_ =	shalt  }
0x6c: {  	_ =	shalt  }
0x6d: {  	_ =	shalt  }
0x6e: {  	_ =	shalt  }
0x6f: {  	_ =	shalt  }
0x70: {  	_ =	shalt  }
0x71: {  	_ =	shalt  }
0x72: {  	_ =	shalt  }
0x73: {  	_ =	shalt  }
0x74: {  	_ =	shalt  }
0x75: {  	_ =	shalt  }
0x76: {  	_ =	shalt  }
0x77: {  	_ =	shalt  }
0x78: {  	_ =	shalt  }
0x79: {  	_ =	shalt  }
0x7a: {  	_ =	shalt  }
0x7b: {  	_ =	shalt  }
0x7c: {  	_ =	shalt  }
0x7d: {  	_ =	shalt  }
0x7e: {  	_ =	shalt  }
0x7f: {  	_ =	shalt  }
0x80: {  	_ =	shalt  }
0x81: {  	_ =	shalt  }
0x82: {  	_ =	shalt  }
0x83: {  	_ =	shalt  }
0x84: {  	_ =	shalt  }
0x85: {  	_ =	shalt  }
0x86: {  	_ =	shalt  }
0x87: {  	_ =	shalt  }
.Lfunc_end0:
.L_simem_size_0:
called_computation_lowered:
.L_overlay_start_0:
0x88: {  	s2 =	sld [smem:$0x3FD9]  }
0x89: {  	s3 =	sld [smem:$0x3FFE];
	_ =	sdelay $0x1  }
0x8a: {  	s1 =	srdreg.scid  }
0x8b: {  	s0 =	sand.u32 $0x1, s1  }
0x8c: {  	s18 =	sshll.u32 s0, $0xA;
	s2 =	sadd.s32 s3, s2  }
0x8d: {  	s2 =	sadd.s32 s2, s18  }
0x8e: {  	[smem:$0x3FC5] =	sst s2  }
0x8f: {  	_ = 	snop  }
0x90: {  	s2 =	sld [smem:$0x3FC9]  }
0x91: {  	s19 =	sld [smem:$0x3FC8]  }
0x92: {  	s4 =	sld [smem:$0x3FC7]  }
0x93: {  	s5 =	sld [smem:$0x3FD0];
	(tm) =	ssettm $0x1  }
0x94: {  	s6 =	sld [smem:$0x3FFB];
	_ =	sdelay $0x3  }
0x95: {  	_ =	strace s6  }
0x96: {  	s6 =	sld [smem:$0x3FFC];
	_ =	sdelay $0x3  }
0x97: {  	_ =	strace s6  }
0x98: {  	s6 =	sld [smem:$0x3FFD];
	_ =	sdelay $0x3  }
0x99: {  	_ =	strace s6  }
0x9a: {  	_ =	strace $0x8FFFFFFF  }
0x9b: {  	s20 =	sld [smem:$0x3FDB];
	_ =	sdelay $0x1  }
0x9c: {  	s7 =	simm.s32 $_scs_section_size  }
0x9d: {  	s8 =	simm.s32 $_size__tile_overlayer_lowered;
	s9 =	simm.s32 $_tile_overlayer_lowered  }
0x9e: {  	s23 =	simm.s32 $0x1BFF;
	s22 =	sshll.u32 s9, $0x1;
	s6 =	sadd.s32 s7, s20  }
0x9f: {  	s10 =	simm.s32 $0x0;
	s21 =	sshll.u32 s8, $0x1;
	s8 =	sadd.s32 s22, s6  }
0xa0: {  	[timem:s10], [sflag:s23] =	dma.local [hbm:s8], s21  }
0xa1: {  	_ =	swait.ge [sflag:s23], s21  }
0xa2: {  	s7 =	ssub.s32 $0x0, s21;
	[sflag:s23] =	ssyncset.done $0x0  }
0xa3: {  	[sflag:s23] =	ssyncadd.s32 s7;
	_ =	sdelay $0x1  }
0xa4: {  	s24 =	simm.s32 $0x1B8B  }
0xa5: {  	_ =	swait.ge [sflag:s24], $0x1  }
0xa6: {  	[sflag:s24] =	ssyncset.done $0x0  }
0xa7: {  	s25 =	simm.s32 $0x1B8E;
	[sflag:s24] =	ssyncadd.s32 $0xFFFFFFFF  }
0xa8: {  	s26 =	simm.s32 $execute0_lowered;
	[smem:$0x3FD2] =	sst s25  }
0xa9: {  	s7 =	sshll.u32 s26, $0x1;
	_ =	strace $0x80000046;
	[dreg:$0x1] =	wrdreg $0xFFFFFFFF  }
0xaa: {  	s28 =	simm.s32 $_size_execute0_lowered;
	s6 =	sadd.s32 s6, s7;
	[dreg:$0x0] =	wrdreg $0x0  }
0xab: {  	s7 =	sshll.u32 s28, $0x1;
	[dreg:$0x2] =	wrdreg s6  }
0xac: {  	[dreg:$0x3] =	wrdreg s7  }
0xad: {  	[dreg:$0x4] =	wrdreg $0xC0  }
0xae: {  	_ =	task [dreg:s10], $0x5FFFF  }
0xaf: {  	[dreg:$0x1] =	wrdreg $0xFFFFFFFF  }
0xb0: {  	[dreg:$0x0] =	wrdreg $0x60  }
0xb1: {  	[dreg:$0x2] =	wrdreg s2  }
0xb2: {  	[dreg:$0x3] =	wrdreg s19  }
0xb3: {  	[dreg:$0x4] =	wrdreg s4  }
0xb4: {  	[dreg:$0x5] =	wrdreg s5  }
0xb5: {  	[dreg:$0x6] =	wrdreg $0x9  }
0xb6: {  	_ =	task.clear_ibuf [dreg:s10], $0x7FFFF;
	_ =	strace $0x90000046  }
0xb7: {  	s29 =	simm.s32 $0x9;
	_ =	strace $0x80000048  }
0xb8: {  	_ =	swait.ge [sflag:s29], $0x1  }
0xb9: {  	[sflag:s29] =	ssyncadd.s32 $0xFFFFFFFF  }
0xba: {  	_ =	strace $0x90000048  }
0xbb: {  	_ =	sfence  }
0xbc: {  	s30 =	sld [smem:$0x0];
	_ =	sdelay $0x2  }
0xbd: {  	s31 =	sshll.u32 s1, $0xD;
	s1 =	sshrl.u32 s1, $0x2  }
0xbe: {  	s3 =	sand.u32 $0x4000, s31;
	s1 =	sadd.s32 s1, s30  }
0xbf: {  	s0 =	sor.u32 s3, s0;
	s1 =	sshll.u32 s1, $0x11  }
0xc0: {  	s0 =	sor.u32 s1, s0  }
0xc1: {  	s0 =	sadd.s32 $0x8F2B, s0  }
0xc2: {  	[sflag:s0] =	ssyncadd.remote.s32 $0x1  }
0xc3: {  	_ =	sfence.sel $0xFFFF  }
0xc4: {  	[dreg:$0x0] =	wrdreg $0xFFFFFFFF;
	(pc) =	sbr.abs _section_cstart, $3  }
0xc5: {  	[dreg:$0x1] =	wrdreg $0xFFFFFFFF  }
0xc6: {  	_ =	task.clear_ibuf [dreg:s10], $0x2FFFF;
	_ =	strace $0x9FFFFFFF  }
0xc7: {  	(tm) =	ssettm $0x7FFFFFFF  }
tec
execute0_lowered:
.L_overlay_start_1:
0x0: {  	(tag) =	ssettag $0x1  }
0x1: {  	s0 =	rddreg [dreg:$0x0]  }
0x2: {  	s1 =	rddreg [dreg:$0x1]  }
0x3: {  	s2 =	rddreg [dreg:$0x3];
	s3 =	simm.s32 $0x0;
	s4 =	srdreg.scid  }
0x4: {  	s7 =	stileid.u32;
	s29 =	simm.s32 $0xE000;
	s31 =	simm.s32 $0x6  }
0x5: {  	[smem:$0x7FF] =	sst s3;
	s4 =	sand.u32 $0x1, s4;
	s5 =	sshll.u32 s7, $0x1  }
0x6: {  	s7 =	sshrl.u32 s7, $0x2;
	_ =	strace $0x80000047;
	s5 =	sand.u32 $0x6, s5  }
0x7: {  	s6 =	ssub.s32 $0x2, s4;
	s4 =	sor.u32 s4, s5;
	s5 =	smul.u32 $0x6, s7  }
0x8: {  	s10 =	smul.u32 $0xC0000, s7;
	s11 =	sshll.u32 s7, $0x12;
	s8 =	sshrl.u32 s6, $0x1  }
0x9: {  	s16 =	ssub.s32 s6, s8;
	s4 =	sshll.u32 s4, $0xF;
	s23 =	sor.u32 $0x1, s5  }
0xa: {  	s24 =	sadd.s32 $0x2, s5;
	s26 =	sadd.s32 $0x3, s5;
	s28 =	sadd.s32 $0x4, s5  }
0xb: {  	s22 =	sor.u32 s10, s4;
	s30 =	sadd.s32 $0x5, s5;
	s15 =	sor.u32 s11, s4  }
0xc: {  	s9 =	sor.u32 $0x2000, s4;
	s13 =	sor.u32 $0x4000, s4;
	s4 =	sor.u32 $0x6000, s4  }
0xd: {  	s16 =	smax.u32 s16, $0x1;
	s25 =	sshrl.u32 s22, $0x3;
	s6 =	sshrl.u32 s15, $0x3  }
0xe: {  	s18 =	sor.u32 s10, s9;
	s19 =	sor.u32 s11, s9;
	s14 =	sor.u32 s10, s13  }
0xf: {  	s13 =	sor.u32 s11, s13;
	s10 =	sor.u32 s10, s4;
	s4 =	sor.u32 s11, s4  }
0x10: {  	v0 =	vmov s23;
	v4 =	vmov s24;
	s23 =	simm.s32 $0x3;
	s24 =	simm.s32 $0x40000;
	v1 =	vmov s26;
	s26 =	simm.s32 $0x2  }
0x11: {  	v5 =	vmov s28;
	s28 =	simm.s32 $0x4;
	v3 =	vmov s30;
	s30 =	simm.s32 $0x5;
	s17 =	sadd.s32 s0, s25  }
0x12: {  	s6 =	sadd.s32 s1, s6;
	s12 =	sshrl.u32 s18, $0x3;
	s9 =	sshrl.u32 s19, $0x3  }
0x13: {  	s14 =	sshrl.u32 s14, $0x3;
	s8 =	sadd.s32 s2, s25;
	s13 =	sshrl.u32 s13, $0x3  }
0x14: {  	s15 =	sshrl.u32 s10, $0x3;
	s4 =	sshrl.u32 s4, $0x3;
	s18 =	simm.s32 $0x7  }
0x15: {  	s19 =	simm.s32 $0x4000;
	s7 =	sadd.s32 $0x10000, s17;
	[dreg:$0x6] =	wrdreg s6  }
0x16: {  	s20 =	sadd.s32 s0, s12;
	s22 =	sadd.s32 s1, s9;
	s25 =	sadd.s32 s0, s14  }
0x17: {  	s10 =	sadd.s32 s1, s13;
	s0 =	sadd.s32 s0, s15;
	s11 =	sadd.s32 s2, s12  }
0x18: {  	s13 =	sadd.s32 s1, s4;
	s14 =	sadd.s32 s2, s14;
	s15 =	sadd.s32 s2, s15  }
0x19: {  	s17 =	simm.s32 $0x14000;
	[dreg:$0x5] =	wrdreg s7;
	s21 =	sadd.s32 $0x10000, s20  }
0x1a: {  	v2 =	vmov s5;
	[dreg:$0x8] =	wrdreg s22;
	s9 =	sadd.s32 $0x10000, s25;
	s12 =	sadd.s32 $0x10000, s0  }
0x1b: {  	v2 =	vbroadcast v2, $0x0;
	s20 =	simm.s32 $0x2000;
	s22 =	simm.s32 $0x1;
	s25 =	simm.s32 $0x8000  }
0x1c: {  	v4 =	vbroadcast v4, $0x0;
	v5 =	vbroadcast v5, $0x0;
	s0 =	simm.s32 $0x0;
	[dreg:$0x7] =	wrdreg s21;
	s21 =	simm.s32 $0x6000  }
.LBB2_1:
0x1d: {  	s1 =	rddreg [dreg:$0x2]  }
0x1e: {  	[tilespmem:s17], [sflag:$0x7] =	stream.linear.gather [hbm4b:s1+s3], $0x80, $0x38;
	[tilespmem:$0x14080] =	vst v63  }
0x1f: {  	_ =	swait.ge [sflag:s18], $0x80  }
0x20: {  	[sflag:s18] =	ssyncset.done $0x0  }
0x21: {  	[sflag:s18] =	ssyncadd.s32 $0xFFFFFF80  }
0x22: {  	v6 =	vld.idx.msk [tilespmem:v2+s17+$0x0], $0xffff;
	_ =	sdelay $0x4  }
0x23: {  	v6 =	vsub.f32 $0.0e+00, v6;
	_ =	sdelay $0x1  }
0x24: {  	v6 =	vmul.f32 $1.442695020e+00, v6;
	_ =	sdelay $0x1  }
0x25: {  	(erf) = vpow2.f32 v6;
	_ =	sdelay $0x3  }
0x26: {  	v6 =	vld.idx.msk [tilespmem:v0+s17+$0x0], $0xffff;
	_ =	sdelay $0x4  }
0x27: {  	v6 =	vsub.f32 $0.0e+00, v6;
	v7 =	vpop (erf)  }
0x28: {  	v7 =	vadd.f32 $1.000000000e+00, v7  }
0x29: {  	v6 =	vmul.f32 $1.442695020e+00, v6  }
0x2a: {  	(erf) = vrcp.f32 v7  }
0x2b: {  	(erf) = vpow2.f32 v6;
	_ =	sdelay $0x3  }
0x2c: {  	v7 =	vld.idx.msk [tilespmem:v4+s17+$0x0], $0xffff;
	_ =	sdelay $0x3  }
0x2d: {  	v6 =	vpop (erf)  }
0x2e: {  	v7 =	vsub.f32 $0.0e+00, v7;
	v8 =	vpop (erf)  }
0x2f: {  	v8 =	vadd.f32 $1.000000000e+00, v8  }
0x30: {  	v7 =	vmul.f32 $1.442695020e+00, v7  }
0x31: {  	(erf) = vrcp.f32 v8  }
0x32: {  	(erf) = vpow2.f32 v7;
	_ =	sdelay $0x3  }
0x33: {  	v8 =	vld.idx.msk [tilespmem:v1+s17+$0x0], $0xffff;
	_ =	sdelay $0x3  }
0x34: {  	v7 =	vpop (erf)  }
0x35: {  	v8 =	vsub.f32 $0.0e+00, v8;
	v9 =	vpop (erf)  }
0x36: {  	v9 =	vadd.f32 $1.000000000e+00, v9  }
0x37: {  	v8 =	vmul.f32 $1.442695020e+00, v8  }
0x38: {  	(erf) = vrcp.f32 v9  }
0x39: {  	(erf) = vpow2.f32 v8;
	_ =	sdelay $0x3  }
0x3a: {  	v9 =	vld.idx.msk [tilespmem:v5+s17+$0x0], $0xffff;
	_ =	sdelay $0x3  }
0x3b: {  	v8 =	vpop (erf)  }
0x3c: {  	v9 =	vsub.f32 $0.0e+00, v9;
	v10 =	vpop (erf)  }
0x3d: {  	v10 =	vadd.f32 $1.000000000e+00, v10  }
0x3e: {  	v9 =	vmul.f32 $1.442695020e+00, v9  }
0x3f: {  	(erf) = vrcp.f32 v10  }
0x40: {  	(erf) = vpow2.f32 v9;
	_ =	sdelay $0x3  }
0x41: {  	v10 =	vld.idx.msk [tilespmem:v3+s17+$0x0], $0xffff;
	_ =	sdelay $0x3  }
0x42: {  	v9 =	vpop (erf)  }
0x43: {  	v10 =	vsub.f32 $0.0e+00, v10;
	v11 =	vpop (erf)  }
0x44: {  	v11 =	vadd.f32 $1.000000000e+00, v11  }
0x45: {  	v10 =	vmul.f32 $1.442695020e+00, v10  }
0x46: {  	(erf) = vrcp.f32 v11  }
0x47: {  	(erf) = vpow2.f32 v10;
	_ =	sdelay $0x7  }
0x48: {  	v10 =	vpop (erf)  }
0x49: {  	v11 =	vpop (erf)  }
0x4a: {  	v11 =	vadd.f32 $1.000000000e+00, v11;
	_ =	sdelay $0x1  }
0x4b: {  	(erf) = vrcp.f32 v11;
	_ =	sdelay $0x1  }
0x4c: {  	s7 =	rddreg [dreg:$0x5]  }
0x4d: {  	[tilespmem:s3], [sflag:$0x1] =	stream.linear.gather [hbm4b:s7+s3], $0x2000, $0x38;
	[tilespmem:$0x14080] =	vst v63  }
0x4e: {  	s2 =	rddreg [dreg:$0x6]  }
0x4f: {  	[tilespmem:s19], [sflag:$0x3] =	stream.linear.gather [hbm4b:s2+s3], $0x2000, $0x38;
	[tilespmem:$0x14080] =	vst v63  }
0x50: {  	s4 =	rddreg [dreg:$0x7]  }
0x51: {  	[tilespmem:s20], [sflag:$0x2] =	stream.linear.gather [hbm4b:s4+s3], $0x2000, $0x38;
	[tilespmem:$0x14080] =	vst v63  }
0x52: {  	s5 =	rddreg [dreg:$0x8]  }
0x53: {  	[tilespmem:s21], [sflag:$0x4] =	stream.linear.gather [hbm4b:s5+s3], $0x2000, $0x38;
	v11 =	vpop (erf);
	[tilespmem:$0x14080] =	vst v63  }
0x54: {  	_ =	swait.ge [sflag:s22], $0x2000  }
0x55: {  	s6 =	simm.s32 $0x0;
	[sflag:s22] =	ssyncset.done $0x0  }
0x56: {  	s1 =	sand.u32 $0x1000, s6;
	[sflag:s22] =	ssyncadd.s32 $0xFFFFE000  }
0x57: {  	s2 =	sand.u32 $0xC00, s3;
	s4 =	simm.s32 $0x0;
	_ =	swait.ge [sflag:s23], $0x2000  }
0x58: {  	s1 =	sor.u32 s2, s1;
	s7 =	sand.u32 $0x380, s4;
	[sflag:s23] =	ssyncset.done $0x0  }
0x59: {  	s2 =	sor.u32 s7, s1;
	[sflag:s23] =	ssyncadd.s32 $0xFFFFE000  }
0x5a: {  	v12 =	vld [tilespmem:s2+$0x70]  }
0x5b: {  	v13 =	vld [tilespmem:s2+$0x4070]  }
0x5c: {  	v14 =	vld [tilespmem:s2+$0x0]  }
0x5d: {  	v20 =	vld [tilespmem:s2+$0x40]  }
0x5e: {  	v37 =	vld [tilespmem:s2+$0x4000]  }
0x5f: {  	v38 =	vld [tilespmem:s2+$0x4010];
	_ =	sdelay $0x1  }
0x60: {  	v15 =	vld [tilespmem:s2+$0x10]  }
0x61: {  	v16 =	vld [tilespmem:s2+$0x20];
	vm1 =	vgt.f32 v12, $-1.000000000e+00  }
0x62: {  	v39 =	vld [tilespmem:s2+$0x4020];
	vm0 =	veq.s32 v13, $0x1;
	vm2 =	vgt.f32 v14, $-1.000000000e+00;
	vm3 =	vgt.f32 v20, $-1.000000000e+00  }
0x63: {  	vm5 =	veq.s32 v37, $0x1;
	vm4 =	veq.s32 v38, $0x1;
	v12 =	vsel vm1, v6, v9  }
0x64: {  	v18 =	vld [tilespmem:s2+$0x30];
	v17 =	vsel vm1, v8, v11;
	v13 =	vsel vm1, v7, v10;
	v36 =	vsel vm2, v6, v9  }
0x65: {  	v19 =	vsel vm2, v7, v10;
	vm1 =	vgt.f32 v15, $-1.000000000e+00;
	v33 =	vsel vm2, v8, v11  }
0x66: {  	v14 =	vld [tilespmem:s2+$0x50];
	vm2 =	vgt.f32 v16, $-1.000000000e+00;
	v32 =	vsel vm3, v6, v9;
	v30 =	vsel vm3, v7, v10  }
0x67: {  	v15 =	vld [tilespmem:s2+$0x60];
	v20 =	vsel vm3, v8, v11;
	vm3 =	veq.s32 v39, $0x1;
	v34 =	vnsel vm0, $0x0, v17  }
0x68: {  	v40 =	vld [tilespmem:s2+$0x4030];
	v21 =	vsel vm1, v6, v9;
	v31 =	vsel vm1, v7, v10;
	v17 =	vsel vm1, v8, v11  }
0x69: {  	v41 =	vld [tilespmem:s2+$0x4040];
	vm1 =	vgt.f32 v18, $-1.000000000e+00;
	v28 =	vsel vm2, v6, v9;
	v25 =	vsel vm2, v7, v10  }
0x6a: {  	v35 =	vld [tilespmem:s2+$0x4050];
	v22 =	vsel vm2, v8, v11;
	v36 =	vnsel vm5, $0x0, v36;
	v26 =	vsel vm1, v6, v9  }
0x6b: {  	v29 =	vsel vm1, v7, v10;
	v23 =	vsel vm1, v8, v11;
	[tilespmem:s2+$0xC070] =	vst v34;
	v34 =	vld [tilespmem:s2+$0x4060];
	vm2 =	vgt.f32 v14, $-1.000000000e+00  }
0x6c: {  	vm1 =	vgt.f32 v15, $-1.000000000e+00;
	v27 =	vsel vm2, v6, v9;
	v24 =	vsel vm2, v7, v10  }
0x6d: {  	v15 =	vsel vm2, v8, v11;
	vm2 =	veq.s32 v40, $0x1;
	v18 =	vsel vm1, v6, v9  }
0x6e: {  	s4 =	simm.s32 $0x0;
	s1 =	simm.s32 $0x0;
	v16 =	vsel vm1, v7, v10;
	v14 =	vsel vm1, v8, v11;
	vm1 =	veq.s32 v41, $0x1  }
.LBB2_2:
0x6f: {  	s1 =	sadd.s32 $0x8, s1;
	[tilespmem:s2+$0x8000] =	vst v36;
	v19 =	vnsel vm5, $0x0, v19;
	v33 =	vnsel vm5, $0x0, v33;
	vm5 =	veq.s32 v35, $0x1  }
0x70: {  	s4 =	sadd.s32 $0x400, s4;
	s5 =	sshll.u32 s1, $0x4;
	p0 =	slt.u32 s1, $0x1F8;
	[tilespmem:s2+$0xA000] =	vst v19;
	v19 =	vnsel vm4, $0x0, v21;
	v21 =	vnsel vm4, $0x0, v31;
	vm6 =	veq.s32 v34, $0x1  }
0x71: {  	v17 =	vnsel vm4, $0x0, v17;
	v28 =	vnsel vm3, $0x0, v28;
	v25 =	vnsel vm3, $0x0, v25;
	s6 =	sand.u32 $0xC00, s4;
	s7 =	sshll.u32 s1, $0x2;
	s5 =	sand.u32 $0x1000, s5;
	[tilespmem:s2+$0xC000] =	vst v33  }
0x72: {  	s5 =	sor.u32 s6, s5;
	s6 =	sand.u32 $0x380, s7;
	[tilespmem:s2+$0x8010] =	vst v19;
	v19 =	vnsel vm3, $0x0, v22;
	v22 =	vnsel vm2, $0x0, v26;
	v26 =	vnsel vm2, $0x0, v29  }
0x73: {  	v29 =	vnsel vm1, $0x0, v30;
	s5 =	sor.u32 s6, s5;
	[tilespmem:s2+$0xA010] =	vst v21;
	v21 =	vnsel vm2, $0x0, v23;
	v23 =	vnsel vm1, $0x0, v32  }
0x74: {  	v20 =	vnsel vm1, $0x0, v20;
	v27 =	vnsel vm5, $0x0, v27;
	v24 =	vnsel vm5, $0x0, v24;
	v30 =	vld [tilespmem:s5+$0x70];
	[tilespmem:s2+$0xC010] =	vst v17  }
0x75: {  	v15 =	vnsel vm5, $0x0, v15;
	v18 =	vnsel vm6, $0x0, v18;
	v16 =	vnsel vm6, $0x0, v16;
	v17 =	vld [tilespmem:s5+$0x4070];
	[tilespmem:s2+$0x8020] =	vst v28  }
0x76: {  	v37 =	vnsel vm0, $0x0, v12;
	v38 =	vnsel vm0, $0x0, v13;
	v36 =	vnsel vm6, $0x0, v14;
	v28 =	vld [tilespmem:s5+$0x0];
	[tilespmem:s2+$0xA020] =	vst v25  }
0x77: {  	v14 =	vld [tilespmem:s5+$0x10];
	[tilespmem:s2+$0xC020] =	vst v19  }
0x78: {  	v25 =	vld [tilespmem:s5+$0x20];
	[tilespmem:s2+$0x8030] =	vst v22  }
0x79: {  	v22 =	vld [tilespmem:s5+$0x30];
	vm1 =	vgt.f32 v30, $-1.000000000e+00;
	[tilespmem:s2+$0xA030] =	vst v26  }
0x7a: {  	v26 =	vld [tilespmem:s5+$0x40];
	vm0 =	veq.s32 v17, $0x1;
	v12 =	vsel vm1, v6, v9;
	v17 =	vsel vm1, v8, v11;
	[tilespmem:s2+$0xC030] =	vst v21  }
0x7b: {  	v13 =	vsel vm1, v7, v10;
	vm2 =	vgt.f32 v28, $-1.000000000e+00;
	v30 =	vld [tilespmem:s5+$0x50];
	v17 =	vnsel vm0, $0x0, v17;
	[tilespmem:s2+$0x8040] =	vst v23  }
0x7c: {  	v39 =	vsel vm2, v6, v9;
	v19 =	vsel vm2, v7, v10;
	vm1 =	vgt.f32 v14, $-1.000000000e+00;
	v14 =	vld [tilespmem:s5+$0x60];
	[tilespmem:s5+$0xC070] =	vst v17  }
0x7d: {  	v33 =	vsel vm2, v8, v11;
	v40 =	vld [tilespmem:s5+$0x4000];
	v21 =	vsel vm1, v6, v9;
	vm2 =	vgt.f32 v25, $-1.000000000e+00;
	[tilespmem:s2+$0xA040] =	vst v29  }
0x7e: {  	v31 =	vsel vm1, v7, v10;
	v17 =	vsel vm1, v8, v11;
	v41 =	vld [tilespmem:s5+$0x4010];
	vm1 =	vgt.f32 v22, $-1.000000000e+00;
	[tilespmem:s2+$0xC040] =	vst v20  }
0x7f: {  	v28 =	vsel vm2, v6, v9;
	v25 =	vsel vm2, v7, v10;
	v42 =	vld [tilespmem:s5+$0x4020];
	vm3 =	vgt.f32 v26, $-1.000000000e+00;
	[tilespmem:s2+$0x8050] =	vst v27  }
0x80: {  	v22 =	vsel vm2, v8, v11;
	v26 =	vsel vm1, v6, v9;
	v43 =	vld [tilespmem:s5+$0x4030];
	vm2 =	vgt.f32 v30, $-1.000000000e+00;
	[tilespmem:s2+$0xA050] =	vst v24  }
0x81: {  	v29 =	vsel vm1, v7, v10;
	v23 =	vsel vm1, v8, v11;
	v44 =	vld [tilespmem:s5+$0x4040];
	vm1 =	vgt.f32 v14, $-1.000000000e+00;
	[tilespmem:s2+$0xC050] =	vst v15  }
.Ltmp0:
0x82: {  	v32 =	vsel vm3, v6, v9;
	v30 =	vsel vm3, v7, v10;
	v20 =	vsel vm3, v8, v11;
	v35 =	vld [tilespmem:s5+$0x4050];
	[tilespmem:s2+$0x8060] =	vst v18;
	(pc) =	sbr.rel @p0 .LBB2_2-.Ltmp0, $4  }
0x83: {  	v27 =	vsel vm2, v6, v9;
	v24 =	vsel vm2, v7, v10;
	v15 =	vsel vm2, v8, v11;
	v34 =	vld [tilespmem:s5+$0x4060];
	[tilespmem:s2+$0xA060] =	vst v16  }
0x84: {  	v18 =	vsel vm1, v6, v9;
	v14 =	vsel vm1, v8, v11;
	v16 =	vsel vm1, v7, v10;
	[tilespmem:s2+$0xC060] =	vst v36  }
0x85: {  	vm5 =	veq.s32 v40, $0x1;
	vm4 =	veq.s32 v41, $0x1;
	vm3 =	veq.s32 v42, $0x1;
	[tilespmem:s2+$0x8070] =	vst v37  }
0x86: {  	v36 =	vnsel vm5, $0x0, v39;
	vm2 =	veq.s32 v43, $0x1;
	vm1 =	veq.s32 v44, $0x1;
	[tilespmem:s2+$0xA070] =	vst v38;
	s2 =	smov.u32 s5  }
0x87: {  	[tilespmem:s2+$0x8000] =	vst v36;
	v19 =	vnsel vm5, $0x0, v19  }
0x88: {  	v33 =	vnsel vm5, $0x0, v33;
	[tilespmem:s2+$0xA000] =	vst v19  }
0x89: {  	v17 =	vnsel vm4, $0x0, v17;
	[tilespmem:s2+$0xC000] =	vst v33  }
0x8a: {  	v12 =	vnsel vm0, $0x0, v12;
	[tilespmem:s2+$0xC010] =	vst v17  }
0x8b: {  	v13 =	vnsel vm0, $0x0, v13;
	[tilespmem:s2+$0x8070] =	vst v12  }
0x8c: {  	v19 =	vnsel vm4, $0x0, v21;
	[tilespmem:s2+$0xA070] =	vst v13  }
0x8d: {  	v21 =	vnsel vm4, $0x0, v31;
	[tilespmem:s2+$0x8010] =	vst v19  }
0x8e: {  	v17 =	vnsel vm3, $0x0, v25;
	[tilespmem:s2+$0xA010] =	vst v21  }
0x8f: {  	v19 =	vnsel vm3, $0x0, v28;
	[tilespmem:s2+$0xA020] =	vst v17  }
0x90: {  	v17 =	vnsel vm2, $0x0, v26;
	[tilespmem:s2+$0x8020] =	vst v19  }
0x91: {  	v19 =	vnsel vm3, $0x0, v22;
	[tilespmem:s2+$0x8030] =	vst v17  }
0x92: {  	v17 =	vnsel vm2, $0x0, v23;
	[tilespmem:s2+$0xC020] =	vst v19  }
0x93: {  	v19 =	vnsel vm2, $0x0, v29;
	[tilespmem:s2+$0xC030] =	vst v17  }
0x94: {  	v17 =	vnsel vm1, $0x0, v30;
	[tilespmem:s2+$0xA030] =	vst v19  }
0x95: {  	vm2 =	veq.s32 v35, $0x1;
	v19 =	vnsel vm1, $0x0, v32;
	[tilespmem:s2+$0xA040] =	vst v17  }
0x96: {  	v17 =	vnsel vm2, $0x0, v27;
	[tilespmem:s2+$0x8040] =	vst v19  }
0x97: {  	v15 =	vnsel vm2, $0x0, v15;
	[tilespmem:s2+$0x8050] =	vst v17  }
0x98: {  	v19 =	vnsel vm1, $0x0, v20;
	[tilespmem:s2+$0xC050] =	vst v15  }
0x99: {  	vm1 =	veq.s32 v34, $0x1;
	[tilespmem:s2+$0xC040] =	vst v19;
	v19 =	vnsel vm2, $0x0, v24  }
0x9a: {  	v17 =	vnsel vm1, $0x0, v18;
	[tilespmem:s2+$0xA050] =	vst v19  }
0x9b: {  	v15 =	vnsel vm1, $0x0, v16;
	[tilespmem:s2+$0x8060] =	vst v17  }
0x9c: {  	v14 =	vnsel vm1, $0x0, v14;
	[tilespmem:s2+$0xA060] =	vst v15  }
0x9d: {  	[tilespmem:s2+$0xC060] =	vst v14  }
0x9e: {  	[hbm4b:s8+s20] =	stream.strided.scatter [tilespmem:s25], [sflag:$0x5], $0x6000, s24, s20, $0x38;
	[tilespmem:$0x14080] =	vst v63  }
0x9f: {  	s1 =	simm.s32 $0x0  }
0xa0: {  	[tilespmem:s1], [sflag:$0x1] =	stream.linear.gather [hbm4b:s9+s1], $0x2000, $0x38;
	[tilespmem:$0x14080] =	vst v63  }
0xa1: {  	_ = 	snop  }
0xa2: {  	[tilespmem:s19], [sflag:$0x3] =	stream.linear.gather [hbm4b:s10+s1], $0x2000, $0x38;
	[tilespmem:$0x14080] =	vst v63  }
0xa3: {  	_ =	swait.ge [sflag:s26], $0x2000  }
0xa4: {  	[sflag:s26] =	ssyncset.done $0x0  }
0xa5: {  	s6 =	simm.s32 $0x0;
	s5 =	simm.s32 $0x0;
	[sflag:s26] =	ssyncadd.s32 $0xFFFFE000  }
0xa6: {  	s4 =	sand.u32 $0xC00, s1;
	s2 =	sand.u32 $0x1000, s6;
	_ =	swait.ge [sflag:s28], $0x2000  }
0xa7: {  	s7 =	sand.u32 $0x380, s5;
	s2 =	sor.u32 s4, s2;
	[sflag:s28] =	ssyncset.done $0x0  }
0xa8: {  	s2 =	sor.u32 s7, s2;
	[sflag:s28] =	ssyncadd.s32 $0xFFFFE000  }
0xa9: {  	v12 =	vld [tilespmem:s2+$0x2070]  }
0xaa: {  	v13 =	vld [tilespmem:s2+$0x6070]  }
0xab: {  	v14 =	vld [tilespmem:s2+$0x2000]  }
0xac: {  	v20 =	vld [tilespmem:s2+$0x2040]  }
0xad: {  	v37 =	vld [tilespmem:s2+$0x6000]  }
0xae: {  	v38 =	vld [tilespmem:s2+$0x6010];
	_ =	sdelay $0x1  }
0xaf: {  	v15 =	vld [tilespmem:s2+$0x2010]  }
0xb0: {  	v16 =	vld [tilespmem:s2+$0x2020];
	vm1 =	vgt.f32 v12, $-1.000000000e+00  }
0xb1: {  	v39 =	vld [tilespmem:s2+$0x6020];
	vm0 =	veq.s32 v13, $0x1;
	vm2 =	vgt.f32 v14, $-1.000000000e+00;
	vm3 =	vgt.f32 v20, $-1.000000000e+00  }
0xb2: {  	vm5 =	veq.s32 v37, $0x1;
	vm4 =	veq.s32 v38, $0x1;
	v12 =	vsel vm1, v6, v9  }
0xb3: {  	v18 =	vld [tilespmem:s2+$0x2030];
	v17 =	vsel vm1, v8, v11;
	v13 =	vsel vm1, v7, v10;
	v63 =	vsel vm2, v6, v9  }
0xb4: {  	v19 =	vsel vm2, v7, v10;
	vm1 =	vgt.f32 v15, $-1.000000000e+00;
	v33 =	vsel vm2, v8, v11  }
0xb5: {  	v14 =	vld [tilespmem:s2+$0x2050];
	vm2 =	vgt.f32 v16, $-1.000000000e+00;
	v32 =	vsel vm3, v6, v9;
	v30 =	vsel vm3, v7, v10  }
0xb6: {  	v15 =	vld [tilespmem:s2+$0x2060];
	v20 =	vsel vm3, v8, v11;
	vm3 =	veq.s32 v39, $0x1;
	v62 =	vnsel vm0, $0x0, v17  }
0xb7: {  	v40 =	vld [tilespmem:s2+$0x6030];
	v21 =	vsel vm1, v6, v9;
	v31 =	vsel vm1, v7, v10;
	v17 =	vsel vm1, v8, v11  }
0xb8: {  	v41 =	vld [tilespmem:s2+$0x6040];
	vm1 =	vgt.f32 v18, $-1.000000000e+00;
	v28 =	vsel vm2, v6, v9;
	v25 =	vsel vm2, v7, v10  }
0xb9: {  	v35 =	vld [tilespmem:s2+$0x6050];
	v22 =	vsel vm2, v8, v11;
	v36 =	vnsel vm5, $0x0, v63;
	v26 =	vsel vm1, v6, v9  }
0xba: {  	v34 =	vld [tilespmem:s2+$0x6060];
	v29 =	vsel vm1, v7, v10;
	v23 =	vsel vm1, v8, v11;
	vm2 =	vgt.f32 v14, $-1.000000000e+00  }
0xbb: {  	vm1 =	vgt.f32 v15, $-1.000000000e+00;
	v27 =	vsel vm2, v6, v9;
	v24 =	vsel vm2, v7, v10  }
0xbc: {  	v15 =	vsel vm2, v8, v11;
	vm2 =	veq.s32 v40, $0x1;
	v18 =	vsel vm1, v6, v9  }
0xbd: {  	s4 =	simm.s32 $0x0;
	[tilespmem:s2+$0x12070] =	vst v62;
	v16 =	vsel vm1, v7, v10;
	v14 =	vsel vm1, v8, v11;
	vm1 =	veq.s32 v41, $0x1  }
.LBB2_4:
0xbe: {  	s4 =	sadd.s32 $0x8, s4;
	[tilespmem:s2+$0xE000] =	vst v36;
	v19 =	vnsel vm5, $0x0, v19;
	v33 =	vnsel vm5, $0x0, v33;
	vm5 =	veq.s32 v35, $0x1  }
0xbf: {  	s1 =	sadd.s32 $0x400, s1;
	s5 =	sshll.u32 s4, $0x4;
	p0 =	slt.u32 s4, $0x1F8;
	[tilespmem:s2+$0x10000] =	vst v19;
	v19 =	vnsel vm4, $0x0, v21;
	v21 =	vnsel vm4, $0x0, v31;
	vm6 =	veq.s32 v34, $0x1  }
0xc0: {  	v17 =	vnsel vm4, $0x0, v17;
	v28 =	vnsel vm3, $0x0, v28;
	v25 =	vnsel vm3, $0x0, v25;
	s6 =	sand.u32 $0xC00, s1;
	s7 =	sshll.u32 s4, $0x2;
	s5 =	sand.u32 $0x1000, s5;
	[tilespmem:s2+$0x12000] =	vst v33  }
0xc1: {  	s5 =	sor.u32 s6, s5;
	s6 =	sand.u32 $0x380, s7;
	[tilespmem:s2+$0xE010] =	vst v19;
	v19 =	vnsel vm3, $0x0, v22;
	v22 =	vnsel vm2, $0x0, v26;
	v26 =	vnsel vm2, $0x0, v29  }
0xc2: {  	v29 =	vnsel vm1, $0x0, v30;
	s5 =	sor.u32 s6, s5;
	[tilespmem:s2+$0x10010] =	vst v21;
	v21 =	vnsel vm2, $0x0, v23;
	v23 =	vnsel vm1, $0x0, v32  }
0xc3: {  	v20 =	vnsel vm1, $0x0, v20;
	v27 =	vnsel vm5, $0x0, v27;
	v24 =	vnsel vm5, $0x0, v24;
	v30 =	vld [tilespmem:s5+$0x2070];
	[tilespmem:s2+$0x12010] =	vst v17  }
0xc4: {  	v15 =	vnsel vm5, $0x0, v15;
	v18 =	vnsel vm6, $0x0, v18;
	v16 =	vnsel vm6, $0x0, v16;
	v17 =	vld [tilespmem:s5+$0x6070];
	[tilespmem:s2+$0xE020] =	vst v28  }
0xc5: {  	v37 =	vnsel vm0, $0x0, v12;
	v38 =	vnsel vm0, $0x0, v13;
	v36 =	vnsel vm6, $0x0, v14;
	v28 =	vld [tilespmem:s5+$0x2000];
	[tilespmem:s2+$0x10020] =	vst v25  }
0xc6: {  	v14 =	vld [tilespmem:s5+$0x2010];
	[tilespmem:s2+$0x12020] =	vst v19  }
0xc7: {  	v25 =	vld [tilespmem:s5+$0x2020];
	[tilespmem:s2+$0xE030] =	vst v22  }
0xc8: {  	v22 =	vld [tilespmem:s5+$0x2030];
	vm1 =	vgt.f32 v30, $-1.000000000e+00;
	[tilespmem:s2+$0x10030] =	vst v26  }
0xc9: {  	v26 =	vld [tilespmem:s5+$0x2040];
	vm0 =	veq.s32 v17, $0x1;
	v12 =	vsel vm1, v6, v9;
	v17 =	vsel vm1, v8, v11;
	[tilespmem:s2+$0x12030] =	vst v21  }
0xca: {  	v13 =	vsel vm1, v7, v10;
	vm2 =	vgt.f32 v28, $-1.000000000e+00;
	v30 =	vld [tilespmem:s5+$0x2050];
	v17 =	vnsel vm0, $0x0, v17;
	[tilespmem:s2+$0xE040] =	vst v23  }
0xcb: {  	v39 =	vsel vm2, v6, v9;
	v19 =	vsel vm2, v7, v10;
	vm1 =	vgt.f32 v14, $-1.000000000e+00;
	v14 =	vld [tilespmem:s5+$0x2060];
	[tilespmem:s5+$0x12070] =	vst v17  }
0xcc: {  	v33 =	vsel vm2, v8, v11;
	v40 =	vld [tilespmem:s5+$0x6000];
	v21 =	vsel vm1, v6, v9;
	vm2 =	vgt.f32 v25, $-1.000000000e+00;
	[tilespmem:s2+$0x10040] =	vst v29  }
0xcd: {  	v31 =	vsel vm1, v7, v10;
	v17 =	vsel vm1, v8, v11;
	v41 =	vld [tilespmem:s5+$0x6010];
	vm1 =	vgt.f32 v22, $-1.000000000e+00;
	[tilespmem:s2+$0x12040] =	vst v20  }
0xce: {  	v28 =	vsel vm2, v6, v9;
	v25 =	vsel vm2, v7, v10;
	v42 =	vld [tilespmem:s5+$0x6020];
	vm3 =	vgt.f32 v26, $-1.000000000e+00;
	[tilespmem:s2+$0xE050] =	vst v27  }
0xcf: {  	v22 =	vsel vm2, v8, v11;
	v26 =	vsel vm1, v6, v9;
	v43 =	vld [tilespmem:s5+$0x6030];
	vm2 =	vgt.f32 v30, $-1.000000000e+00;
	[tilespmem:s2+$0x10050] =	vst v24  }
0xd0: {  	v29 =	vsel vm1, v7, v10;
	v23 =	vsel vm1, v8, v11;
	v44 =	vld [tilespmem:s5+$0x6040];
	vm1 =	vgt.f32 v14, $-1.000000000e+00;
	[tilespmem:s2+$0x12050] =	vst v15  }
.Ltmp1:
0xd1: {  	v32 =	vsel vm3, v6, v9;
	v30 =	vsel vm3, v7, v10;
	v20 =	vsel vm3, v8, v11;
	v35 =	vld [tilespmem:s5+$0x6050];
	[tilespmem:s2+$0xE060] =	vst v18;
	(pc) =	sbr.rel @p0 .LBB2_4-.Ltmp1, $4  }
0xd2: {  	v27 =	vsel vm2, v6, v9;
	v24 =	vsel vm2, v7, v10;
	v15 =	vsel vm2, v8, v11;
	v34 =	vld [tilespmem:s5+$0x6060];
	[tilespmem:s2+$0x10060] =	vst v16  }
0xd3: {  	v18 =	vsel vm1, v6, v9;
	v14 =	vsel vm1, v8, v11;
	v16 =	vsel vm1, v7, v10;
	[tilespmem:s2+$0x12060] =	vst v36  }
0xd4: {  	vm5 =	veq.s32 v40, $0x1;
	vm4 =	veq.s32 v41, $0x1;
	vm3 =	veq.s32 v42, $0x1;
	[tilespmem:s2+$0xE070] =	vst v37  }
0xd5: {  	v36 =	vnsel vm5, $0x0, v39;
	vm2 =	veq.s32 v43, $0x1;
	vm1 =	veq.s32 v44, $0x1;
	[tilespmem:s2+$0x10070] =	vst v38;
	s2 =	smov.u32 s5  }
0xd6: {  	[tilespmem:s2+$0xE000] =	vst v36;
	v19 =	vnsel vm5, $0x0, v19  }
0xd7: {  	v33 =	vnsel vm5, $0x0, v33;
	[tilespmem:s2+$0x10000] =	vst v19  }
0xd8: {  	v17 =	vnsel vm4, $0x0, v17;
	[tilespmem:s2+$0x12000] =	vst v33  }
0xd9: {  	v12 =	vnsel vm0, $0x0, v12;
	[tilespmem:s2+$0x12010] =	vst v17  }
0xda: {  	v13 =	vnsel vm0, $0x0, v13;
	[tilespmem:s2+$0xE070] =	vst v12  }
0xdb: {  	v19 =	vnsel vm4, $0x0, v21;
	[tilespmem:s2+$0x10070] =	vst v13  }
0xdc: {  	v21 =	vnsel vm4, $0x0, v31;
	[tilespmem:s2+$0xE010] =	vst v19  }
0xdd: {  	v17 =	vnsel vm3, $0x0, v25;
	[tilespmem:s2+$0x10010] =	vst v21  }
0xde: {  	v19 =	vnsel vm3, $0x0, v28;
	[tilespmem:s2+$0x10020] =	vst v17  }
0xdf: {  	v17 =	vnsel vm2, $0x0, v26;
	[tilespmem:s2+$0xE020] =	vst v19  }
0xe0: {  	v19 =	vnsel vm3, $0x0, v22;
	[tilespmem:s2+$0xE030] =	vst v17  }
0xe1: {  	v17 =	vnsel vm2, $0x0, v23;
	[tilespmem:s2+$0x12020] =	vst v19  }
0xe2: {  	v19 =	vnsel vm2, $0x0, v29;
	[tilespmem:s2+$0x12030] =	vst v17  }
0xe3: {  	v17 =	vnsel vm1, $0x0, v30;
	[tilespmem:s2+$0x10030] =	vst v19  }
0xe4: {  	vm2 =	veq.s32 v35, $0x1;
	v19 =	vnsel vm1, $0x0, v32;
	[tilespmem:s2+$0x10040] =	vst v17  }
0xe5: {  	v17 =	vnsel vm2, $0x0, v27;
	[tilespmem:s2+$0xE040] =	vst v19  }
0xe6: {  	v15 =	vnsel vm2, $0x0, v15;
	[tilespmem:s2+$0xE050] =	vst v17  }
0xe7: {  	v19 =	vnsel vm1, $0x0, v20;
	[tilespmem:s2+$0x12050] =	vst v15  }
0xe8: {  	vm1 =	veq.s32 v34, $0x1;
	[tilespmem:s2+$0x12040] =	vst v19;
	v19 =	vnsel vm2, $0x0, v24  }
0xe9: {  	v17 =	vnsel vm1, $0x0, v18;
	[tilespmem:s2+$0x10050] =	vst v19  }
0xea: {  	v15 =	vnsel vm1, $0x0, v16;
	[tilespmem:s2+$0xE060] =	vst v17  }
0xeb: {  	v14 =	vnsel vm1, $0x0, v14;
	[tilespmem:s2+$0x10060] =	vst v15  }
0xec: {  	[tilespmem:s2+$0x12060] =	vst v14  }
0xed: {  	[hbm4b:s11+s20] =	stream.strided.scatter [tilespmem:s29], [sflag:$0x6], $0x6000, s24, s20, $0x38;
	[tilespmem:$0x14080] =	vst v63  }
0xee: {  	s1 =	simm.s32 $0x0  }
0xef: {  	[tilespmem:s20], [sflag:$0x2] =	stream.linear.gather [hbm4b:s12+s1], $0x2000, $0x38;
	[tilespmem:$0x14080] =	vst v63  }
0xf0: {  	_ = 	snop  }
0xf1: {  	[tilespmem:s21], [sflag:$0x4] =	stream.linear.gather [hbm4b:s13+s1], $0x2000, $0x38;
	[tilespmem:$0x14080] =	vst v63  }
0xf2: {  	_ =	swait.ge [sflag:s22], $0x2000  }
0xf3: {  	[sflag:s22] =	ssyncset.done $0x0  }
0xf4: {  	[sflag:s22] =	ssyncadd.s32 $0xFFFFE000  }
0xf5: {  	_ =	swait.ge [sflag:s23], $0x2000  }
0xf6: {  	[sflag:s23] =	ssyncset.done $0x0  }
0xf7: {  	s6 =	simm.s32 $0x0;
	s5 =	simm.s32 $0x0;
	[sflag:s23] =	ssyncadd.s32 $0xFFFFE000  }
0xf8: {  	s4 =	sand.u32 $0xC00, s1;
	s2 =	sand.u32 $0x1000, s6;
	_ =	swait.ge [sflag:s30], $0x6000  }
0xf9: {  	s7 =	sand.u32 $0x380, s5;
	s2 =	sor.u32 s4, s2;
	[sflag:s30] =	ssyncset.done $0x0  }
0xfa: {  	s2 =	sor.u32 s7, s2;
	[sflag:s30] =	ssyncadd.s32 $0xFFFFA000  }
0xfb: {  	v12 =	vld [tilespmem:s2+$0x70]  }
0xfc: {  	v13 =	vld [tilespmem:s2+$0x4070]  }
0xfd: {  	v14 =	vld [tilespmem:s2+$0x0]  }
0xfe: {  	v20 =	vld [tilespmem:s2+$0x40]  }
0xff: {  	v37 =	vld [tilespmem:s2+$0x4000]  }
0x100: {  	v38 =	vld [tilespmem:s2+$0x4010];
	_ =	sdelay $0x1  }
0x101: {  	v15 =	vld [tilespmem:s2+$0x10]  }
0x102: {  	v16 =	vld [tilespmem:s2+$0x20];
	vm1 =	vgt.f32 v12, $-1.000000000e+00  }
0x103: {  	v39 =	vld [tilespmem:s2+$0x4020];
	vm0 =	veq.s32 v13, $0x1;
	vm2 =	vgt.f32 v14, $-1.000000000e+00;
	vm3 =	vgt.f32 v20, $-1.000000000e+00  }
0x104: {  	vm5 =	veq.s32 v37, $0x1;
	vm4 =	veq.s32 v38, $0x1;
	v12 =	vsel vm1, v6, v9  }
0x105: {  	v18 =	vld [tilespmem:s2+$0x30];
	v17 =	vsel vm1, v8, v11;
	v13 =	vsel vm1, v7, v10;
	v63 =	vsel vm2, v6, v9  }
0x106: {  	v19 =	vsel vm2, v7, v10;
	vm1 =	vgt.f32 v15, $-1.000000000e+00;
	v33 =	vsel vm2, v8, v11  }
0x107: {  	v14 =	vld [tilespmem:s2+$0x50];
	vm2 =	vgt.f32 v16, $-1.000000000e+00;
	v32 =	vsel vm3, v6, v9;
	v30 =	vsel vm3, v7, v10  }
0x108: {  	v15 =	vld [tilespmem:s2+$0x60];
	v20 =	vsel vm3, v8, v11;
	vm3 =	veq.s32 v39, $0x1;
	v62 =	vnsel vm0, $0x0, v17  }
0x109: {  	v40 =	vld [tilespmem:s2+$0x4030];
	v21 =	vsel vm1, v6, v9;
	v31 =	vsel vm1, v7, v10;
	v17 =	vsel vm1, v8, v11  }
0x10a: {  	v41 =	vld [tilespmem:s2+$0x4040];
	vm1 =	vgt.f32 v18, $-1.000000000e+00;
	v28 =	vsel vm2, v6, v9;
	v25 =	vsel vm2, v7, v10  }
0x10b: {  	v35 =	vld [tilespmem:s2+$0x4050];
	v22 =	vsel vm2, v8, v11;
	v36 =	vnsel vm5, $0x0, v63;
	v26 =	vsel vm1, v6, v9  }
0x10c: {  	v34 =	vld [tilespmem:s2+$0x4060];
	v29 =	vsel vm1, v7, v10;
	v23 =	vsel vm1, v8, v11;
	vm2 =	vgt.f32 v14, $-1.000000000e+00  }
0x10d: {  	vm1 =	vgt.f32 v15, $-1.000000000e+00;
	v27 =	vsel vm2, v6, v9;
	v24 =	vsel vm2, v7, v10  }
0x10e: {  	v15 =	vsel vm2, v8, v11;
	vm2 =	veq.s32 v40, $0x1;
	v18 =	vsel vm1, v6, v9  }
0x10f: {  	s4 =	simm.s32 $0x0;
	[tilespmem:s2+$0xC070] =	vst v62;
	v16 =	vsel vm1, v7, v10;
	v14 =	vsel vm1, v8, v11;
	vm1 =	veq.s32 v41, $0x1  }
.LBB2_6:
0x110: {  	s4 =	sadd.s32 $0x8, s4;
	[tilespmem:s2+$0x8000] =	vst v36;
	v19 =	vnsel vm5, $0x0, v19;
	v33 =	vnsel vm5, $0x0, v33;
	vm5 =	veq.s32 v35, $0x1  }
0x111: {  	s1 =	sadd.s32 $0x400, s1;
	s5 =	sshll.u32 s4, $0x4;
	p0 =	slt.u32 s4, $0x1F8;
	[tilespmem:s2+$0xA000] =	vst v19;
	v19 =	vnsel vm4, $0x0, v21;
	v21 =	vnsel vm4, $0x0, v31;
	vm6 =	veq.s32 v34, $0x1  }
0x112: {  	v17 =	vnsel vm4, $0x0, v17;
	v28 =	vnsel vm3, $0x0, v28;
	v25 =	vnsel vm3, $0x0, v25;
	s6 =	sand.u32 $0xC00, s1;
	s7 =	sshll.u32 s4, $0x2;
	s5 =	sand.u32 $0x1000, s5;
	[tilespmem:s2+$0xC000] =	vst v33  }
0x113: {  	s5 =	sor.u32 s6, s5;
	s6 =	sand.u32 $0x380, s7;
	[tilespmem:s2+$0x8010] =	vst v19;
	v19 =	vnsel vm3, $0x0, v22;
	v22 =	vnsel vm2, $0x0, v26;
	v26 =	vnsel vm2, $0x0, v29  }
0x114: {  	v29 =	vnsel vm1, $0x0, v30;
	s5 =	sor.u32 s6, s5;
	[tilespmem:s2+$0xA010] =	vst v21;
	v21 =	vnsel vm2, $0x0, v23;
	v23 =	vnsel vm1, $0x0, v32  }
0x115: {  	v20 =	vnsel vm1, $0x0, v20;
	v27 =	vnsel vm5, $0x0, v27;
	v24 =	vnsel vm5, $0x0, v24;
	v30 =	vld [tilespmem:s5+$0x70];
	[tilespmem:s2+$0xC010] =	vst v17  }
0x116: {  	v15 =	vnsel vm5, $0x0, v15;
	v18 =	vnsel vm6, $0x0, v18;
	v16 =	vnsel vm6, $0x0, v16;
	v17 =	vld [tilespmem:s5+$0x4070];
	[tilespmem:s2+$0x8020] =	vst v28  }
0x117: {  	v37 =	vnsel vm0, $0x0, v12;
	v38 =	vnsel vm0, $0x0, v13;
	v36 =	vnsel vm6, $0x0, v14;
	v28 =	vld [tilespmem:s5+$0x0];
	[tilespmem:s2+$0xA020] =	vst v25  }
0x118: {  	v14 =	vld [tilespmem:s5+$0x10];
	[tilespmem:s2+$0xC020] =	vst v19  }
0x119: {  	v25 =	vld [tilespmem:s5+$0x20];
	[tilespmem:s2+$0x8030] =	vst v22  }
0x11a: {  	v22 =	vld [tilespmem:s5+$0x30];
	vm1 =	vgt.f32 v30, $-1.000000000e+00;
	[tilespmem:s2+$0xA030] =	vst v26  }
0x11b: {  	v26 =	vld [tilespmem:s5+$0x40];
	vm0 =	veq.s32 v17, $0x1;
	v12 =	vsel vm1, v6, v9;
	v17 =	vsel vm1, v8, v11;
	[tilespmem:s2+$0xC030] =	vst v21  }
0x11c: {  	v13 =	vsel vm1, v7, v10;
	vm2 =	vgt.f32 v28, $-1.000000000e+00;
	v30 =	vld [tilespmem:s5+$0x50];
	v17 =	vnsel vm0, $0x0, v17;
	[tilespmem:s2+$0x8040] =	vst v23  }
0x11d: {  	v39 =	vsel vm2, v6, v9;
	v19 =	vsel vm2, v7, v10;
	vm1 =	vgt.f32 v14, $-1.000000000e+00;
	v14 =	vld [tilespmem:s5+$0x60];
	[tilespmem:s5+$0xC070] =	vst v17  }
0x11e: {  	v33 =	vsel vm2, v8, v11;
	v40 =	vld [tilespmem:s5+$0x4000];
	v21 =	vsel vm1, v6, v9;
	vm2 =	vgt.f32 v25, $-1.000000000e+00;
	[tilespmem:s2+$0xA040] =	vst v29  }
0x11f: {  	v31 =	vsel vm1, v7, v10;
	v17 =	vsel vm1, v8, v11;
	v41 =	vld [tilespmem:s5+$0x4010];
	vm1 =	vgt.f32 v22, $-1.000000000e+00;
	[tilespmem:s2+$0xC040] =	vst v20  }
0x120: {  	v28 =	vsel vm2, v6, v9;
	v25 =	vsel vm2, v7, v10;
	v42 =	vld [tilespmem:s5+$0x4020];
	vm3 =	vgt.f32 v26, $-1.000000000e+00;
	[tilespmem:s2+$0x8050] =	vst v27  }
0x121: {  	v22 =	vsel vm2, v8, v11;
	v26 =	vsel vm1, v6, v9;
	v43 =	vld [tilespmem:s5+$0x4030];
	vm2 =	vgt.f32 v30, $-1.000000000e+00;
	[tilespmem:s2+$0xA050] =	vst v24  }
0x122: {  	v29 =	vsel vm1, v7, v10;
	v23 =	vsel vm1, v8, v11;
	v44 =	vld [tilespmem:s5+$0x4040];
	vm1 =	vgt.f32 v14, $-1.000000000e+00;
	[tilespmem:s2+$0xC050] =	vst v15  }
.Ltmp2:
0x123: {  	v32 =	vsel vm3, v6, v9;
	v30 =	vsel vm3, v7, v10;
	v20 =	vsel vm3, v8, v11;
	v35 =	vld [tilespmem:s5+$0x4050];
	[tilespmem:s2+$0x8060] =	vst v18;
	(pc) =	sbr.rel @p0 .LBB2_6-.Ltmp2, $4  }
0x124: {  	v27 =	vsel vm2, v6, v9;
	v24 =	vsel vm2, v7, v10;
	v15 =	vsel vm2, v8, v11;
	v34 =	vld [tilespmem:s5+$0x4060];
	[tilespmem:s2+$0xA060] =	vst v16  }
0x125: {  	v18 =	vsel vm1, v6, v9;
	v14 =	vsel vm1, v8, v11;
	v16 =	vsel vm1, v7, v10;
	[tilespmem:s2+$0xC060] =	vst v36  }
0x126: {  	vm5 =	veq.s32 v40, $0x1;
	vm4 =	veq.s32 v41, $0x1;
	vm3 =	veq.s32 v42, $0x1;
	[tilespmem:s2+$0x8070] =	vst v37  }
0x127: {  	v36 =	vnsel vm5, $0x0, v39;
	vm2 =	veq.s32 v43, $0x1;
	vm1 =	veq.s32 v44, $0x1;
	[tilespmem:s2+$0xA070] =	vst v38;
	s2 =	smov.u32 s5  }
0x128: {  	[tilespmem:s2+$0x8000] =	vst v36;
	v19 =	vnsel vm5, $0x0, v19  }
0x129: {  	v33 =	vnsel vm5, $0x0, v33;
	[tilespmem:s2+$0xA000] =	vst v19  }
0x12a: {  	v17 =	vnsel vm4, $0x0, v17;
	[tilespmem:s2+$0xC000] =	vst v33  }
0x12b: {  	v12 =	vnsel vm0, $0x0, v12;
	[tilespmem:s2+$0xC010] =	vst v17  }
0x12c: {  	v13 =	vnsel vm0, $0x0, v13;
	[tilespmem:s2+$0x8070] =	vst v12  }
0x12d: {  	v19 =	vnsel vm4, $0x0, v21;
	[tilespmem:s2+$0xA070] =	vst v13  }
0x12e: {  	v21 =	vnsel vm4, $0x0, v31;
	[tilespmem:s2+$0x8010] =	vst v19  }
0x12f: {  	v17 =	vnsel vm3, $0x0, v25;
	[tilespmem:s2+$0xA010] =	vst v21  }
0x130: {  	v19 =	vnsel vm3, $0x0, v28;
	[tilespmem:s2+$0xA020] =	vst v17  }
0x131: {  	v17 =	vnsel vm2, $0x0, v26;
	[tilespmem:s2+$0x8020] =	vst v19  }
0x132: {  	v19 =	vnsel vm3, $0x0, v22;
	[tilespmem:s2+$0x8030] =	vst v17  }
0x133: {  	v17 =	vnsel vm2, $0x0, v23;
	[tilespmem:s2+$0xC020] =	vst v19  }
0x134: {  	v19 =	vnsel vm2, $0x0, v29;
	[tilespmem:s2+$0xC030] =	vst v17  }
0x135: {  	v17 =	vnsel vm1, $0x0, v30;
	[tilespmem:s2+$0xA030] =	vst v19  }
0x136: {  	vm2 =	veq.s32 v35, $0x1;
	v19 =	vnsel vm1, $0x0, v32;
	[tilespmem:s2+$0xA040] =	vst v17  }
0x137: {  	v17 =	vnsel vm2, $0x0, v27;
	[tilespmem:s2+$0x8040] =	vst v19  }
0x138: {  	v15 =	vnsel vm2, $0x0, v15;
	[tilespmem:s2+$0x8050] =	vst v17  }
0x139: {  	v19 =	vnsel vm1, $0x0, v20;
	[tilespmem:s2+$0xC050] =	vst v15  }
0x13a: {  	vm1 =	veq.s32 v34, $0x1;
	[tilespmem:s2+$0xC040] =	vst v19;
	v19 =	vnsel vm2, $0x0, v24  }
0x13b: {  	v17 =	vnsel vm1, $0x0, v18;
	[tilespmem:s2+$0xA050] =	vst v19  }
0x13c: {  	v15 =	vnsel vm1, $0x0, v16;
	[tilespmem:s2+$0x8060] =	vst v17  }
0x13d: {  	v14 =	vnsel vm1, $0x0, v14;
	[tilespmem:s2+$0xA060] =	vst v15  }
0x13e: {  	[tilespmem:s2+$0xC060] =	vst v14  }
0x13f: {  	[hbm4b:s14+s20] =	stream.strided.scatter [tilespmem:s25], [sflag:$0x5], $0x6000, s24, s20, $0x38;
	[tilespmem:$0x14080] =	vst v63  }
0x140: {  	_ =	swait.ge [sflag:s26], $0x2000  }
0x141: {  	[sflag:s26] =	ssyncset.done $0x0  }
0x142: {  	[sflag:s26] =	ssyncadd.s32 $0xFFFFE000  }
0x143: {  	_ =	swait.ge [sflag:s28], $0x2000  }
0x144: {  	s1 =	simm.s32 $0x0;
	[sflag:s28] =	ssyncset.done $0x0  }
0x145: {  	s6 =	simm.s32 $0x0;
	s5 =	simm.s32 $0x0;
	[sflag:s28] =	ssyncadd.s32 $0xFFFFE000  }
0x146: {  	s4 =	sand.u32 $0xC00, s1;
	s2 =	sand.u32 $0x1000, s6;
	_ =	swait.ge [sflag:s31], $0x6000  }
0x147: {  	s7 =	sand.u32 $0x380, s5;
	s2 =	sor.u32 s4, s2;
	[sflag:s31] =	ssyncset.done $0x0  }
0x148: {  	s2 =	sor.u32 s7, s2;
	[sflag:s31] =	ssyncadd.s32 $0xFFFFA000  }
0x149: {  	v12 =	vld [tilespmem:s2+$0x2070]  }
0x14a: {  	v13 =	vld [tilespmem:s2+$0x6070]  }
0x14b: {  	v14 =	vld [tilespmem:s2+$0x2000]  }
0x14c: {  	v20 =	vld [tilespmem:s2+$0x2040]  }
0x14d: {  	v37 =	vld [tilespmem:s2+$0x6000]  }
0x14e: {  	v38 =	vld [tilespmem:s2+$0x6010];
	_ =	sdelay $0x1  }
0x14f: {  	v15 =	vld [tilespmem:s2+$0x2010]  }
0x150: {  	v16 =	vld [tilespmem:s2+$0x2020];
	vm1 =	vgt.f32 v12, $-1.000000000e+00  }
0x151: {  	v39 =	vld [tilespmem:s2+$0x6020];
	vm0 =	veq.s32 v13, $0x1;
	vm2 =	vgt.f32 v14, $-1.000000000e+00;
	vm3 =	vgt.f32 v20, $-1.000000000e+00  }
0x152: {  	vm5 =	veq.s32 v37, $0x1;
	vm4 =	veq.s32 v38, $0x1;
	v12 =	vsel vm1, v6, v9  }
0x153: {  	v18 =	vld [tilespmem:s2+$0x2030];
	v17 =	vsel vm1, v8, v11;
	v13 =	vsel vm1, v7, v10;
	v63 =	vsel vm2, v6, v9  }
0x154: {  	v19 =	vsel vm2, v7, v10;
	vm1 =	vgt.f32 v15, $-1.000000000e+00;
	v33 =	vsel vm2, v8, v11  }
0x155: {  	v14 =	vld [tilespmem:s2+$0x2050];
	vm2 =	vgt.f32 v16, $-1.000000000e+00;
	v32 =	vsel vm3, v6, v9;
	v30 =	vsel vm3, v7, v10  }
0x156: {  	v15 =	vld [tilespmem:s2+$0x2060];
	v20 =	vsel vm3, v8, v11;
	vm3 =	veq.s32 v39, $0x1;
	v62 =	vnsel vm0, $0x0, v17  }
0x157: {  	v40 =	vld [tilespmem:s2+$0x6030];
	v21 =	vsel vm1, v6, v9;
	v31 =	vsel vm1, v7, v10;
	v17 =	vsel vm1, v8, v11  }
0x158: {  	v41 =	vld [tilespmem:s2+$0x6040];
	vm1 =	vgt.f32 v18, $-1.000000000e+00;
	v28 =	vsel vm2, v6, v9;
	v25 =	vsel vm2, v7, v10  }
0x159: {  	v35 =	vld [tilespmem:s2+$0x6050];
	v22 =	vsel vm2, v8, v11;
	v36 =	vnsel vm5, $0x0, v63;
	v26 =	vsel vm1, v6, v9  }
0x15a: {  	v34 =	vld [tilespmem:s2+$0x6060];
	v29 =	vsel vm1, v7, v10;
	v23 =	vsel vm1, v8, v11;
	vm2 =	vgt.f32 v14, $-1.000000000e+00  }
0x15b: {  	vm1 =	vgt.f32 v15, $-1.000000000e+00;
	v27 =	vsel vm2, v6, v9;
	v24 =	vsel vm2, v7, v10  }
0x15c: {  	v15 =	vsel vm2, v8, v11;
	vm2 =	veq.s32 v40, $0x1;
	v18 =	vsel vm1, v6, v9  }
0x15d: {  	s4 =	simm.s32 $0x0;
	[tilespmem:s2+$0x12070] =	vst v62;
	v16 =	vsel vm1, v7, v10;
	v14 =	vsel vm1, v8, v11;
	vm1 =	veq.s32 v41, $0x1  }
.LBB2_8:
0x15e: {  	s4 =	sadd.s32 $0x8, s4;
	[tilespmem:s2+$0xE000] =	vst v36;
	v19 =	vnsel vm5, $0x0, v19;
	v33 =	vnsel vm5, $0x0, v33;
	vm5 =	veq.s32 v35, $0x1  }
0x15f: {  	s1 =	sadd.s32 $0x400, s1;
	s5 =	sshll.u32 s4, $0x4;
	p0 =	slt.u32 s4, $0x1F8;
	[tilespmem:s2+$0x10000] =	vst v19;
	v19 =	vnsel vm4, $0x0, v21;
	v21 =	vnsel vm4, $0x0, v31;
	vm6 =	veq.s32 v34, $0x1  }
0x160: {  	v17 =	vnsel vm4, $0x0, v17;
	v28 =	vnsel vm3, $0x0, v28;
	v25 =	vnsel vm3, $0x0, v25;
	s6 =	sand.u32 $0xC00, s1;
	s7 =	sshll.u32 s4, $0x2;
	s5 =	sand.u32 $0x1000, s5;
	[tilespmem:s2+$0x12000] =	vst v33  }
0x161: {  	s5 =	sor.u32 s6, s5;
	s6 =	sand.u32 $0x380, s7;
	[tilespmem:s2+$0xE010] =	vst v19;
	v19 =	vnsel vm3, $0x0, v22;
	v22 =	vnsel vm2, $0x0, v26;
	v26 =	vnsel vm2, $0x0, v29  }
0x162: {  	v29 =	vnsel vm1, $0x0, v30;
	s5 =	sor.u32 s6, s5;
	[tilespmem:s2+$0x10010] =	vst v21;
	v21 =	vnsel vm2, $0x0, v23;
	v23 =	vnsel vm1, $0x0, v32  }
0x163: {  	v20 =	vnsel vm1, $0x0, v20;
	v27 =	vnsel vm5, $0x0, v27;
	v24 =	vnsel vm5, $0x0, v24;
	v30 =	vld [tilespmem:s5+$0x2070];
	[tilespmem:s2+$0x12010] =	vst v17  }
0x164: {  	v15 =	vnsel vm5, $0x0, v15;
	v18 =	vnsel vm6, $0x0, v18;
	v16 =	vnsel vm6, $0x0, v16;
	v17 =	vld [tilespmem:s5+$0x6070];
	[tilespmem:s2+$0xE020] =	vst v28  }
0x165: {  	v37 =	vnsel vm0, $0x0, v12;
	v38 =	vnsel vm0, $0x0, v13;
	v36 =	vnsel vm6, $0x0, v14;
	v28 =	vld [tilespmem:s5+$0x2000];
	[tilespmem:s2+$0x10020] =	vst v25  }
0x166: {  	v14 =	vld [tilespmem:s5+$0x2010];
	[tilespmem:s2+$0x12020] =	vst v19  }
0x167: {  	v25 =	vld [tilespmem:s5+$0x2020];
	[tilespmem:s2+$0xE030] =	vst v22  }
0x168: {  	v22 =	vld [tilespmem:s5+$0x2030];
	vm1 =	vgt.f32 v30, $-1.000000000e+00;
	[tilespmem:s2+$0x10030] =	vst v26  }
0x169: {  	v26 =	vld [tilespmem:s5+$0x2040];
	vm0 =	veq.s32 v17, $0x1;
	v12 =	vsel vm1, v6, v9;
	v17 =	vsel vm1, v8, v11;
	[tilespmem:s2+$0x12030] =	vst v21  }
0x16a: {  	v13 =	vsel vm1, v7, v10;
	vm2 =	vgt.f32 v28, $-1.000000000e+00;
	v30 =	vld [tilespmem:s5+$0x2050];
	v17 =	vnsel vm0, $0x0, v17;
	[tilespmem:s2+$0xE040] =	vst v23  }
0x16b: {  	v39 =	vsel vm2, v6, v9;
	v19 =	vsel vm2, v7, v10;
	vm1 =	vgt.f32 v14, $-1.000000000e+00;
	v14 =	vld [tilespmem:s5+$0x2060];
	[tilespmem:s5+$0x12070] =	vst v17  }
0x16c: {  	v33 =	vsel vm2, v8, v11;
	v40 =	vld [tilespmem:s5+$0x6000];
	v21 =	vsel vm1, v6, v9;
	vm2 =	vgt.f32 v25, $-1.000000000e+00;
	[tilespmem:s2+$0x10040] =	vst v29  }
0x16d: {  	v31 =	vsel vm1, v7, v10;
	v17 =	vsel vm1, v8, v11;
	v41 =	vld [tilespmem:s5+$0x6010];
	vm1 =	vgt.f32 v22, $-1.000000000e+00;
	[tilespmem:s2+$0x12040] =	vst v20  }
0x16e: {  	v28 =	vsel vm2, v6, v9;
	v25 =	vsel vm2, v7, v10;
	v42 =	vld [tilespmem:s5+$0x6020];
	vm3 =	vgt.f32 v26, $-1.000000000e+00;
	[tilespmem:s2+$0xE050] =	vst v27  }
0x16f: {  	v22 =	vsel vm2, v8, v11;
	v26 =	vsel vm1, v6, v9;
	v43 =	vld [tilespmem:s5+$0x6030];
	vm2 =	vgt.f32 v30, $-1.000000000e+00;
	[tilespmem:s2+$0x10050] =	vst v24  }
0x170: {  	v29 =	vsel vm1, v7, v10;
	v23 =	vsel vm1, v8, v11;
	v44 =	vld [tilespmem:s5+$0x6040];
	vm1 =	vgt.f32 v14, $-1.000000000e+00;
	[tilespmem:s2+$0x12050] =	vst v15  }
.Ltmp3:
0x171: {  	v32 =	vsel vm3, v6, v9;
	v30 =	vsel vm3, v7, v10;
	v20 =	vsel vm3, v8, v11;
	v35 =	vld [tilespmem:s5+$0x6050];
	[tilespmem:s2+$0xE060] =	vst v18;
	(pc) =	sbr.rel @p0 .LBB2_8-.Ltmp3, $4  }
0x172: {  	v27 =	vsel vm2, v6, v9;
	v24 =	vsel vm2, v7, v10;
	v15 =	vsel vm2, v8, v11;
	v34 =	vld [tilespmem:s5+$0x6060];
	[tilespmem:s2+$0x10060] =	vst v16  }
0x173: {  	v18 =	vsel vm1, v6, v9;
	v14 =	vsel vm1, v8, v11;
	v16 =	vsel vm1, v7, v10;
	[tilespmem:s2+$0x12060] =	vst v36  }
0x174: {  	vm5 =	veq.s32 v40, $0x1;
	vm4 =	veq.s32 v41, $0x1;
	vm3 =	veq.s32 v42, $0x1;
	[tilespmem:s2+$0xE070] =	vst v37  }
0x175: {  	v36 =	vnsel vm5, $0x0, v39;
	vm2 =	veq.s32 v43, $0x1;
	vm1 =	veq.s32 v44, $0x1;
	[tilespmem:s2+$0x10070] =	vst v38;
	s2 =	smov.u32 s5  }
0x176: {  	[tilespmem:s2+$0xE000] =	vst v36;
	v6 =	vnsel vm5, $0x0, v19  }
0x177: {  	v7 =	vnsel vm5, $0x0, v33;
	[tilespmem:s2+$0x10000] =	vst v6  }
0x178: {  	v6 =	vnsel vm4, $0x0, v21;
	[tilespmem:s2+$0x12000] =	vst v7  }
0x179: {  	v7 =	vnsel vm4, $0x0, v31;
	[tilespmem:s2+$0xE010] =	vst v6  }
0x17a: {  	v6 =	vnsel vm4, $0x0, v17;
	[tilespmem:s2+$0x10010] =	vst v7  }
0x17b: {  	v7 =	vnsel vm3, $0x0, v28;
	[tilespmem:s2+$0x12010] =	vst v6  }
0x17c: {  	v6 =	vnsel vm3, $0x0, v25;
	[tilespmem:s2+$0xE020] =	vst v7  }
0x17d: {  	v7 =	vnsel vm3, $0x0, v22;
	[tilespmem:s2+$0x10020] =	vst v6  }
0x17e: {  	v6 =	vnsel vm2, $0x0, v26;
	[tilespmem:s2+$0x12020] =	vst v7  }
0x17f: {  	v7 =	vnsel vm2, $0x0, v29;
	[tilespmem:s2+$0xE030] =	vst v6  }
0x180: {  	v6 =	vnsel vm2, $0x0, v23;
	[tilespmem:s2+$0x10030] =	vst v7  }
0x181: {  	v7 =	vnsel vm1, $0x0, v32;
	[tilespmem:s2+$0x12030] =	vst v6  }
0x182: {  	v6 =	vnsel vm1, $0x0, v30;
	[tilespmem:s2+$0xE040] =	vst v7  }
0x183: {  	vm14 =	veq.s32 v35, $0x1;
	v7 =	vnsel vm1, $0x0, v20;
	[tilespmem:s2+$0x10040] =	vst v6  }
0x184: {  	v6 =	vnsel vm14, $0x0, v27;
	[tilespmem:s2+$0x12040] =	vst v7  }
0x185: {  	v7 =	vnsel vm14, $0x0, v24;
	[tilespmem:s2+$0xE050] =	vst v6  }
0x186: {  	vm15 =	veq.s32 v34, $0x1;
	v6 =	vnsel vm14, $0x0, v15;
	[tilespmem:s2+$0x10050] =	vst v7  }
0x187: {  	v7 =	vnsel vm15, $0x0, v18;
	[tilespmem:s2+$0x12050] =	vst v6  }
0x188: {  	v6 =	vnsel vm15, $0x0, v16;
	[tilespmem:s2+$0xE060] =	vst v7  }
0x189: {  	v7 =	vnsel vm15, $0x0, v14;
	[tilespmem:s2+$0x10060] =	vst v6  }
0x18a: {  	v6 =	vnsel vm0, $0x0, v12;
	[tilespmem:s2+$0x12060] =	vst v7  }
0x18b: {  	v7 =	vnsel vm0, $0x0, v13;
	[tilespmem:s2+$0xE070] =	vst v6  }
0x18c: {  	s0 =	sadd.s32 $0x1, s0;
	[tilespmem:s2+$0x10070] =	vst v7  }
0x18d: {  	[hbm4b:s15+s20] =	stream.strided.scatter [tilespmem:s29], [sflag:$0x6], $0x6000, s24, s20, $0x38;
	[tilespmem:$0x14080] =	vst v63  }
0x18e: {  	p0 =	sne.s32 s0, s16;
	_ =	swait.ge [sflag:s30], $0x6000  }
.Ltmp4:
0x18f: {  	[sflag:s30] =	ssyncset.done $0x0;
	(pc) =	sbr.rel @p0 .LBB2_1-.Ltmp4, $4  }
0x190: {  	[sflag:s30] =	ssyncadd.s32 $0xFFFFA000  }
0x191: {  	_ =	swait.ge [sflag:s31], $0x6000  }
0x192: {  	[sflag:s31] =	ssyncset.done $0x0  }
0x193: {  	[sflag:s31] =	ssyncadd.s32 $0xFFFFA000  }
0x194: {  	_ =	sfence.sel $0x180000  }
0x195: {  	[bflag:$0x0] =	sbarrier.arrive $0xFFFF  }
0x196: {  	_ =	strace $0x90000047  }
0x197: {  	s0 =	stileid.u32;
	[bflag:$0x2] =	sbarrier.arrive $0xFFFF  }
0x198: {  	p0 =	sne.s32 s0, $0x0;
	s0 =	rddreg [dreg:$0x4]  }
0x199: {  	s0 =	sadd.s32 @!p0 $0x100000, s0  }
0x19a: {  	[sflag:s0] =	ssyncadd.tile.s32 @!p0 $0x1;
	_ =	shalt  }
.Lfunc_end2:
_tile_overlayer_lowered:
.L_overlay_start_2:
0x19b: {  	(tag) =	ssettag $0x2  }
0x19c: {  	s0 =	rddreg [dreg:$0x0];
	s2 =	stileid.u32  }
0x19d: {  	s1 =	rddreg [dreg:$0x1];
	p0 =	sne.s32 s2, $0x0  }
0x19e: {  	s3 =	rddreg [dreg:$0x2];
	[bflag:$0x3] =	sbarrier.arrive $0xFFFF;
	s2 =	simm.s32 @!p0 $0x1C07  }
0x19f: {  	[timem:s3], [sflag:s2] =	dma.local @!p0 [hbm:s0], s1  }
0x1a0: {  	s0 =	simm.s32 @!p0 $0x7  }
0x1a1: {  	_ =	swait.ge @!p0 [sflag:s0], s1  }
0x1a2: {  	s1 =	ssub.s32 @!p0 $0x0, s1;
	[sflag:s0] =	ssyncset.done @!p0 $0x0  }
0x1a3: {  	[sflag:s0] =	ssyncadd.s32 @!p0 s1  }
0x1a4: {  	[bflag:$0x3] =	sbarrier.arrive $0xFFFF  }
0x1a5: {  	_ =	shalt  }

</sc_bundles>
